<compile_context>
chip_gen: v7x
topology: tpu7x:2x2x1
jax: 0.10.2.dev20260603
libtpu: 0.0.44.dev20260713+nightly
codegen_flags: <defaults>
</compile_context>

<pallas_src>
import functools

import jax
import jax.numpy as jnp
from jax import lax
from jax.experimental import pallas as pl
from jax.experimental.pallas import tpu as pltpu
from jax.experimental.pallas import tpu_sc as plsc

S = 8


@functools.lru_cache(maxsize=None)
def _make_gather(num_samples: int, seq: int, vocab: int, embed_dim: int):
    info = plsc.get_sparse_core_info()
    nc, ns = info.num_cores, info.num_subcores
    nw = nc * ns
    assert num_samples % (nw * S) == 0
    samples_per_w = num_samples // nw
    num_chunks = samples_per_w // S
    assert num_chunks % 2 == 0

    mesh = plsc.VectorSubcoreMesh(core_axis_name="c", subcore_axis_name="s")

    @functools.partial(
        pl.kernel,
        mesh=mesh,
        out_type=jax.ShapeDtypeStruct((num_samples, seq, embed_dim),
                                      jnp.float32),
        compiler_params=pltpu.CompilerParams(use_tc_tiling_on_sc=False),
        scratch_types=(
            [pltpu.VMEM((seq,), jnp.int32) for _ in range(2 * S)]
            + [pltpu.VMEM((S, seq, embed_dim), jnp.float32) for _ in range(2)]
            + [pltpu.SemaphoreType.DMA for _ in range(6)]
        ),
    )
    def gather_kernel(table_hbm, idx_hbm, out_hbm, *scratch):
        idx_vs = (scratch[:S], scratch[S:2 * S])
        rows_vs = scratch[2 * S:2 * S + 2]
        gsem = scratch[2 * S + 2:2 * S + 4]
        isem = scratch[2 * S + 4:2 * S + 6]
        osem = scratch[2 * S + 6:2 * S + 8]

        wid = lax.axis_index("s") * nc + lax.axis_index("c")
        base = wid * samples_per_w

        def fire_idx(b, c):
            for j in range(S):
                pltpu.async_copy(idx_hbm.at[base + c * S + j],
                                 idx_vs[b][j], isem[b])

        def drain_idx(b, c):
            for j in range(S):
                pltpu.make_async_copy(idx_hbm.at[base + c * S + j],
                                      idx_vs[b][j], isem[b]).wait()

        def fire_gathers(b):
            for j in range(S):
                pltpu.async_copy(table_hbm.at[idx_vs[b][j]],
                                 rows_vs[b].at[j], gsem[b])

        def drain_gathers(b):
            for j in range(S):
                pltpu.make_async_copy(table_hbm.at[idx_vs[b][j]],
                                      rows_vs[b].at[j], gsem[b]).wait()

        def fire_write(b, c):
            pltpu.async_copy(rows_vs[b],
                             out_hbm.at[pl.ds(base + c * S, S)], osem[b])

        def drain_write(b, c):
            pltpu.make_async_copy(rows_vs[b],
                                  out_hbm.at[pl.ds(base + c * S, S)],
                                  osem[b]).wait()

        for j in range(S):
            pltpu.sync_copy(idx_hbm.at[base + j], idx_vs[0][j])
        fire_gathers(0)
        fire_idx(1, 1)

        def pair_body(s, carry):
            for half in range(2):
                c = 2 * s + half
                b = half

                @pl.when(c + 1 < num_chunks)
                def _():
                    drain_idx(1 - b, c + 1)

                @pl.when(c > 0)
                def _():
                    drain_write(1 - b, c - 1)

                @pl.when(c + 1 < num_chunks)
                def _():
                    fire_gathers(1 - b)

                drain_gathers(b)
                fire_write(b, c)

                @pl.when(c + 2 < num_chunks)
                def _():
                    fire_idx(b, c + 2)

            return carry

        lax.fori_loop(0, num_chunks // 2, pair_body, 0)
        drain_write(1, num_chunks - 1)

    return gather_kernel


def kernel(x, table):
    vocab, embed_dim = table.shape
    num_samples, seq = x.shape
    fn = _make_gather(num_samples, seq, vocab, embed_dim)
    return fn(table, x.astype(jnp.int32))

# --- scband reference (transcript-rebuilt; emitter-appended) ---
"""Pipeline reference for scband-unary-embedding-57277683859789 (READ-ONLY COPY).

The authoritative reference and input builder live on the scoring server;
editing this copy changes nothing except your own understanding.
"""

import jax, jax.numpy as jnp
import numpy as np

VOCAB = 1000000
EMBED_DIM = 64
PAD_TOKEN = 0

def setup_inputs(seed: int = 0) -> dict:
    key = jax.random.key(seed)
    k1, k2 = jax.random.split(key)
    x = jax.random.randint(k1, (16384, 100), 0, VOCAB, dtype=jnp.int64) if jax.config.jax_enable_x64 else jax.random.randint(k1, (16384, 100), 0, VOCAB, dtype=jnp.int32)
    # nn.Embedding default init: N(0,1); padding_idx row zeroed
    table = jax.random.normal(k2, (VOCAB, EMBED_DIM), dtype=jnp.float32)
    table = table.at[PAD_TOKEN].set(0.0)
    return {"x": x, "table": table}

def reference(x, table):
    # UnaryEmbedding.forward: self.embedding(x)
    return jnp.take(table, x, axis=0)

if __name__ == "__main__":
    import jax
    _d = setup_inputs()
    print(jax.jit(kernel)(*tuple(_d.values())))

</pallas_src>

<mosaic_0001>
#map = affine_map<(d0, d1) -> (0, 0)>
#map1 = affine_map<(d0, d1) -> (0, 0, 0)>
module attributes {stable_mosaic.version = 14 : i64} {
  func.func @gather_kernel(%arg0: i32, %arg1: i32, %arg2: memref<1000000x64xf32, #tpu.memory_space<hbm>>, %arg3: memref<16384x100xi32, #tpu.memory_space<hbm>>, %arg4: memref<16384x100x64xf32, #tpu.memory_space<hbm>>, %arg5: memref<100xi32, #tpu.memory_space<vmem>>, %arg6: memref<100xi32, #tpu.memory_space<vmem>>, %arg7: memref<100xi32, #tpu.memory_space<vmem>>, %arg8: memref<100xi32, #tpu.memory_space<vmem>>, %arg9: memref<100xi32, #tpu.memory_space<vmem>>, %arg10: memref<100xi32, #tpu.memory_space<vmem>>, %arg11: memref<100xi32, #tpu.memory_space<vmem>>, %arg12: memref<100xi32, #tpu.memory_space<vmem>>, %arg13: memref<100xi32, #tpu.memory_space<vmem>>, %arg14: memref<100xi32, #tpu.memory_space<vmem>>, %arg15: memref<100xi32, #tpu.memory_space<vmem>>, %arg16: memref<100xi32, #tpu.memory_space<vmem>>, %arg17: memref<100xi32, #tpu.memory_space<vmem>>, %arg18: memref<100xi32, #tpu.memory_space<vmem>>, %arg19: memref<100xi32, #tpu.memory_space<vmem>>, %arg20: memref<100xi32, #tpu.memory_space<vmem>>, %arg21: memref<8x100x64xf32, #tpu.memory_space<vmem>>, %arg22: memref<8x100x64xf32, #tpu.memory_space<vmem>>, %arg23: memref<!tpu.dma_semaphore, #tpu.memory_space<semaphore_mem>>, %arg24: memref<!tpu.dma_semaphore, #tpu.memory_space<semaphore_mem>>, %arg25: memref<!tpu.dma_semaphore, #tpu.memory_space<semaphore_mem>>, %arg26: memref<!tpu.dma_semaphore, #tpu.memory_space<semaphore_mem>>, %arg27: memref<!tpu.dma_semaphore, #tpu.memory_space<semaphore_mem>>, %arg28: memref<!tpu.dma_semaphore, #tpu.memory_space<semaphore_mem>>) attributes {dimension_semantics = [#tpu.dimension_semantics<core_parallel>, #tpu.dimension_semantics<subcore_parallel>], iteration_bounds = array<i64: 2, 16>, scalar_prefetch = 0 : i64, scratch_operands = 24 : i64, tpu.core_type = #tpu.core_type<sc_vector_subcore>, window_params = [{transform_indices = #map}, {transform_indices = #map}, {transform_indices = #map1}]} {
    %mul3A = arith.constant 2 : i32
    %mul3A_0 = arith.muli %arg1, %mul3A : i32
    %add3A = arith.addi %mul3A_0, %arg0 : i32
    %mul3A_1 = arith.constant 512 : i32
    %mul3A_2 = arith.muli %add3A, %mul3A_1 : i32
    %add3A_3 = arith.constant 0 : i32
    %add3A_4 = arith.addi %mul3A_2, %add3A_3 : i32
    "tpu.region"() ({
      %run_scoped3A = tpu.sem_alloc : memref<!tpu.dma_semaphore, #tpu.memory_space<semaphore_mem>>
      %dma_start3A_174 = arith.constant 0 : i32
      %dma_start3A_175 = tpu.memref_slice %arg3[%add3A_4, %dma_start3A_174] : memref<16384x100xi32, #tpu.memory_space<hbm>> -> memref<1x100xi32, #tpu.memory_space<hbm>>
      %dma_start3A_176 = tpu.memref_squeeze %dma_start3A_175 : memref<1x100xi32, #tpu.memory_space<hbm>> -> memref<100xi32, #tpu.memory_space<hbm>>
      %dma_start3A_177 = arith.constant 0 : i32
      %dma_start3A_178 = tpu.memref_slice %arg3[%add3A_4, %dma_start3A_177] : memref<16384x100xi32, #tpu.memory_space<hbm>> -> memref<1x100xi32, #tpu.memory_space<hbm>>
      %dma_start3A_179 = tpu.memref_squeeze %dma_start3A_178 : memref<1x100xi32, #tpu.memory_space<hbm>> -> memref<100xi32, #tpu.memory_space<hbm>>
      tpu.enqueue_dma source(%dma_start3A_179 : memref<100xi32, #tpu.memory_space<hbm>>) target(%arg5 : memref<100xi32, #tpu.memory_space<vmem>>) target_semaphore(%run_scoped3A : memref<!tpu.dma_semaphore, #tpu.memory_space<semaphore_mem>>)
      %dma_wait3A_180 = arith.constant 0 : i32
      %dma_wait3A_181 = tpu.memref_slice %arg3[%add3A_4, %dma_wait3A_180] : memref<16384x100xi32, #tpu.memory_space<hbm>> -> memref<1x100xi32, #tpu.memory_space<hbm>>
      %dma_wait3A_182 = tpu.memref_squeeze %dma_wait3A_181 : memref<1x100xi32, #tpu.memory_space<hbm>> -> memref<100xi32, #tpu.memory_space<hbm>>
      %dma_wait3A_183 = arith.constant 0 : i32
      %dma_wait3A_184 = tpu.memref_slice %arg3[%add3A_4, %dma_wait3A_183] : memref<16384x100xi32, #tpu.memory_space<hbm>> -> memref<1x100xi32, #tpu.memory_space<hbm>>
      %dma_wait3A_185 = tpu.memref_squeeze %dma_wait3A_184 : memref<1x100xi32, #tpu.memory_space<hbm>> -> memref<100xi32, #tpu.memory_space<hbm>>
      tpu.wait_dma2 semaphore(%run_scoped3A : memref<!tpu.dma_semaphore, #tpu.memory_space<semaphore_mem>>) src(%dma_wait3A_185 : memref<100xi32, #tpu.memory_space<hbm>>) dst(%arg5 : memref<100xi32, #tpu.memory_space<vmem>>)
      tpu.yield
    }) : () -> ()
    %add3A_5 = arith.constant 1 : i32
    %add3A_6 = arith.addi %mul3A_2, %add3A_5 : i32
    "tpu.region"() ({
      %run_scoped3A = tpu.sem_alloc : memref<!tpu.dma_semaphore, #tpu.memory_space<semaphore_mem>>
      %dma_start3A_174 = arith.constant 0 : i32
      %dma_start3A_175 = tpu.memref_slice %arg3[%add3A_6, %dma_start3A_174] : memref<16384x100xi32, #tpu.memory_space<hbm>> -> memref<1x100xi32, #tpu.memory_space<hbm>>
      %dma_start3A_176 = tpu.memref_squeeze %dma_start3A_175 : memref<1x100xi32, #tpu.memory_space<hbm>> -> memref<100xi32, #tpu.memory_space<hbm>>
      %dma_start3A_177 = arith.constant 0 : i32
      %dma_start3A_178 = tpu.memref_slice %arg3[%add3A_6, %dma_start3A_177] : memref<16384x100xi32, #tpu.memory_space<hbm>> -> memref<1x100xi32, #tpu.memory_space<hbm>>
      %dma_start3A_179 = tpu.memref_squeeze %dma_start3A_178 : memref<1x100xi32, #tpu.memory_space<hbm>> -> memref<100xi32, #tpu.memory_space<hbm>>
      tpu.enqueue_dma source(%dma_start3A_179 : memref<100xi32, #tpu.memory_space<hbm>>) target(%arg6 : memref<100xi32, #tpu.memory_space<vmem>>) target_semaphore(%run_scoped3A : memref<!tpu.dma_semaphore, #tpu.memory_space<semaphore_mem>>)
      %dma_wait3A_180 = arith.constant 0 : i32
      %dma_wait3A_181 = tpu.memref_slice %arg3[%add3A_6, %dma_wait3A_180] : memref<16384x100xi32, #tpu.memory_space<hbm>> -> memref<1x100xi32, #tpu.memory_space<hbm>>
      %dma_wait3A_182 = tpu.memref_squeeze %dma_wait3A_181 : memref<1x100xi32, #tpu.memory_space<hbm>> -> memref<100xi32, #tpu.memory_space<hbm>>
      %dma_wait3A_183 = arith.constant 0 : i32
      %dma_wait3A_184 = tpu.memref_slice %arg3[%add3A_6, %dma_wait3A_183] : memref<16384x100xi32, #tpu.memory_space<hbm>> -> memref<1x100xi32, #tpu.memory_space<hbm>>
      %dma_wait3A_185 = tpu.memref_squeeze %dma_wait3A_184 : memref<1x100xi32, #tpu.memory_space<hbm>> -> memref<100xi32, #tpu.memory_space<hbm>>
      tpu.wait_dma2 semaphore(%run_scoped3A : memref<!tpu.dma_semaphore, #tpu.memory_space<semaphore_mem>>) src(%dma_wait3A_185 : memref<100xi32, #tpu.memory_space<hbm>>) dst(%arg6 : memref<100xi32, #tpu.memory_space<vmem>>)
      tpu.yield
    }) : () -> ()
    %add3A_7 = arith.constant 2 : i32
    %add3A_8 = arith.addi %mul3A_2, %add3A_7 : i32
    "tpu.region"() ({
      %run_scoped3A = tpu.sem_alloc : memref<!tpu.dma_semaphore, #tpu.memory_space<semaphore_mem>>
      %dma_start3A_174 = arith.constant 0 : i32
      %dma_start3A_175 = tpu.memref_slice %arg3[%add3A_8, %dma_start3A_174] : memref<16384x100xi32, #tpu.memory_space<hbm>> -> memref<1x100xi32, #tpu.memory_space<hbm>>
      %dma_start3A_176 = tpu.memref_squeeze %dma_start3A_175 : memref<1x100xi32, #tpu.memory_space<hbm>> -> memref<100xi32, #tpu.memory_space<hbm>>
      %dma_start3A_177 = arith.constant 0 : i32
      %dma_start3A_178 = tpu.memref_slice %arg3[%add3A_8, %dma_start3A_177] : memref<16384x100xi32, #tpu.memory_space<hbm>> -> memref<1x100xi32, #tpu.memory_space<hbm>>
      %dma_start3A_179 = tpu.memref_squeeze %dma_start3A_178 : memref<1x100xi32, #tpu.memory_space<hbm>> -> memref<100xi32, #tpu.memory_space<hbm>>
      tpu.enqueue_dma source(%dma_start3A_179 : memref<100xi32, #tpu.memory_space<hbm>>) target(%arg7 : memref<100xi32, #tpu.memory_space<vmem>>) target_semaphore(%run_scoped3A : memref<!tpu.dma_semaphore, #tpu.memory_space<semaphore_mem>>)
      %dma_wait3A_180 = arith.constant 0 : i32
      %dma_wait3A_181 = tpu.memref_slice %arg3[%add3A_8, %dma_wait3A_180] : memref<16384x100xi32, #tpu.memory_space<hbm>> -> memref<1x100xi32, #tpu.memory_space<hbm>>
      %dma_wait3A_182 = tpu.memref_squeeze %dma_wait3A_181 : memref<1x100xi32, #tpu.memory_space<hbm>> -> memref<100xi32, #tpu.memory_space<hbm>>
      %dma_wait3A_183 = arith.constant 0 : i32
      %dma_wait3A_184 = tpu.memref_slice %arg3[%add3A_8, %dma_wait3A_183] : memref<16384x100xi32, #tpu.memory_space<hbm>> -> memref<1x100xi32, #tpu.memory_space<hbm>>
      %dma_wait3A_185 = tpu.memref_squeeze %dma_wait3A_184 : memref<1x100xi32, #tpu.memory_space<hbm>> -> memref<100xi32, #tpu.memory_space<hbm>>
      tpu.wait_dma2 semaphore(%run_scoped3A : memref<!tpu.dma_semaphore, #tpu.memory_space<semaphore_mem>>) src(%dma_wait3A_185 : memref<100xi32, #tpu.memory_space<hbm>>) dst(%arg7 : memref<100xi32, #tpu.memory_space<vmem>>)
      tpu.yield
    }) : () -> ()
    %add3A_9 = arith.constant 3 : i32
    %add3A_10 = arith.addi %mul3A_2, %add3A_9 : i32
    "tpu.region"() ({
      %run_scoped3A = tpu.sem_alloc : memref<!tpu.dma_semaphore, #tpu.memory_space<semaphore_mem>>
      %dma_start3A_174 = arith.constant 0 : i32
      %dma_start3A_175 = tpu.memref_slice %arg3[%add3A_10, %dma_start3A_174] : memref<16384x100xi32, #tpu.memory_space<hbm>> -> memref<1x100xi32, #tpu.memory_space<hbm>>
      %dma_start3A_176 = tpu.memref_squeeze %dma_start3A_175 : memref<1x100xi32, #tpu.memory_space<hbm>> -> memref<100xi32, #tpu.memory_space<hbm>>
      %dma_start3A_177 = arith.constant 0 : i32
      %dma_start3A_178 = tpu.memref_slice %arg3[%add3A_10, %dma_start3A_177] : memref<16384x100xi32, #tpu.memory_space<hbm>> -> memref<1x100xi32, #tpu.memory_space<hbm>>
      %dma_start3A_179 = tpu.memref_squeeze %dma_start3A_178 : memref<1x100xi32, #tpu.memory_space<hbm>> -> memref<100xi32, #tpu.memory_space<hbm>>
      tpu.enqueue_dma source(%dma_start3A_179 : memref<100xi32, #tpu.memory_space<hbm>>) target(%arg8 : memref<100xi32, #tpu.memory_space<vmem>>) target_semaphore(%run_scoped3A : memref<!tpu.dma_semaphore, #tpu.memory_space<semaphore_mem>>)
      %dma_wait3A_180 = arith.constant 0 : i32
      %dma_wait3A_181 = tpu.memref_slice %arg3[%add3A_10, %dma_wait3A_180] : memref<16384x100xi32, #tpu.memory_space<hbm>> -> memref<1x100xi32, #tpu.memory_space<hbm>>
      %dma_wait3A_182 = tpu.memref_squeeze %dma_wait3A_181 : memref<1x100xi32, #tpu.memory_space<hbm>> -> memref<100xi32, #tpu.memory_space<hbm>>
      %dma_wait3A_183 = arith.constant 0 : i32
      %dma_wait3A_184 = tpu.memref_slice %arg3[%add3A_10, %dma_wait3A_183] : memref<16384x100xi32, #tpu.memory_space<hbm>> -> memref<1x100xi32, #tpu.memory_space<hbm>>
      %dma_wait3A_185 = tpu.memref_squeeze %dma_wait3A_184 : memref<1x100xi32, #tpu.memory_space<hbm>> -> memref<100xi32, #tpu.memory_space<hbm>>
      tpu.wait_dma2 semaphore(%run_scoped3A : memref<!tpu.dma_semaphore, #tpu.memory_space<semaphore_mem>>) src(%dma_wait3A_185 : memref<100xi32, #tpu.memory_space<hbm>>) dst(%arg8 : memref<100xi32, #tpu.memory_space<vmem>>)
      tpu.yield
    }) : () -> ()
    %add3A_11 = arith.constant 4 : i32
    %add3A_12 = arith.addi %mul3A_2, %add3A_11 : i32
    "tpu.region"() ({
      %run_scoped3A = tpu.sem_alloc : memref<!tpu.dma_semaphore, #tpu.memory_space<semaphore_mem>>
      %dma_start3A_174 = arith.constant 0 : i32
      %dma_start3A_175 = tpu.memref_slice %arg3[%add3A_12, %dma_start3A_174] : memref<16384x100xi32, #tpu.memory_space<hbm>> -> memref<1x100xi32, #tpu.memory_space<hbm>>
      %dma_start3A_176 = tpu.memref_squeeze %dma_start3A_175 : memref<1x100xi32, #tpu.memory_space<hbm>> -> memref<100xi32, #tpu.memory_space<hbm>>
      %dma_start3A_177 = arith.constant 0 : i32
      %dma_start3A_178 = tpu.memref_slice %arg3[%add3A_12, %dma_start3A_177] : memref<16384x100xi32, #tpu.memory_space<hbm>> -> memref<1x100xi32, #tpu.memory_space<hbm>>
      %dma_start3A_179 = tpu.memref_squeeze %dma_start3A_178 : memref<1x100xi32, #tpu.memory_space<hbm>> -> memref<100xi32, #tpu.memory_space<hbm>>
      tpu.enqueue_dma source(%dma_start3A_179 : memref<100xi32, #tpu.memory_space<hbm>>) target(%arg9 : memref<100xi32, #tpu.memory_space<vmem>>) target_semaphore(%run_scoped3A : memref<!tpu.dma_semaphore, #tpu.memory_space<semaphore_mem>>)
      %dma_wait3A_180 = arith.constant 0 : i32
      %dma_wait3A_181 = tpu.memref_slice %arg3[%add3A_12, %dma_wait3A_180] : memref<16384x100xi32, #tpu.memory_space<hbm>> -> memref<1x100xi32, #tpu.memory_space<hbm>>
      %dma_wait3A_182 = tpu.memref_squeeze %dma_wait3A_181 : memref<1x100xi32, #tpu.memory_space<hbm>> -> memref<100xi32, #tpu.memory_space<hbm>>
      %dma_wait3A_183 = arith.constant 0 : i32
      %dma_wait3A_184 = tpu.memref_slice %arg3[%add3A_12, %dma_wait3A_183] : memref<16384x100xi32, #tpu.memory_space<hbm>> -> memref<1x100xi32, #tpu.memory_space<hbm>>
      %dma_wait3A_185 = tpu.memref_squeeze %dma_wait3A_184 : memref<1x100xi32, #tpu.memory_space<hbm>> -> memref<100xi32, #tpu.memory_space<hbm>>
      tpu.wait_dma2 semaphore(%run_scoped3A : memref<!tpu.dma_semaphore, #tpu.memory_space<semaphore_mem>>) src(%dma_wait3A_185 : memref<100xi32, #tpu.memory_space<hbm>>) dst(%arg9 : memref<100xi32, #tpu.memory_space<vmem>>)
      tpu.yield
    }) : () -> ()
    %add3A_13 = arith.constant 5 : i32
    %add3A_14 = arith.addi %mul3A_2, %add3A_13 : i32
    "tpu.region"() ({
      %run_scoped3A = tpu.sem_alloc : memref<!tpu.dma_semaphore, #tpu.memory_space<semaphore_mem>>
      %dma_start3A_174 = arith.constant 0 : i32
      %dma_start3A_175 = tpu.memref_slice %arg3[%add3A_14, %dma_start3A_174] : memref<16384x100xi32, #tpu.memory_space<hbm>> -> memref<1x100xi32, #tpu.memory_space<hbm>>
      %dma_start3A_176 = tpu.memref_squeeze %dma_start3A_175 : memref<1x100xi32, #tpu.memory_space<hbm>> -> memref<100xi32, #tpu.memory_space<hbm>>
      %dma_start3A_177 = arith.constant 0 : i32
      %dma_start3A_178 = tpu.memref_slice %arg3[%add3A_14, %dma_start3A_177] : memref<16384x100xi32, #tpu.memory_space<hbm>> -> memref<1x100xi32, #tpu.memory_space<hbm>>
      %dma_start3A_179 = tpu.memref_squeeze %dma_start3A_178 : memref<1x100xi32, #tpu.memory_space<hbm>> -> memref<100xi32, #tpu.memory_space<hbm>>
      tpu.enqueue_dma source(%dma_start3A_179 : memref<100xi32, #tpu.memory_space<hbm>>) target(%arg10 : memref<100xi32, #tpu.memory_space<vmem>>) target_semaphore(%run_scoped3A : memref<!tpu.dma_semaphore, #tpu.memory_space<semaphore_mem>>)
      %dma_wait3A_180 = arith.constant 0 : i32
      %dma_wait3A_181 = tpu.memref_slice %arg3[%add3A_14, %dma_wait3A_180] : memref<16384x100xi32, #tpu.memory_space<hbm>> -> memref<1x100xi32, #tpu.memory_space<hbm>>
      %dma_wait3A_182 = tpu.memref_squeeze %dma_wait3A_181 : memref<1x100xi32, #tpu.memory_space<hbm>> -> memref<100xi32, #tpu.memory_space<hbm>>
      %dma_wait3A_183 = arith.constant 0 : i32
      %dma_wait3A_184 = tpu.memref_slice %arg3[%add3A_14, %dma_wait3A_183] : memref<16384x100xi32, #tpu.memory_space<hbm>> -> memref<1x100xi32, #tpu.memory_space<hbm>>
      %dma_wait3A_185 = tpu.memref_squeeze %dma_wait3A_184 : memref<1x100xi32, #tpu.memory_space<hbm>> -> memref<100xi32, #tpu.memory_space<hbm>>
      tpu.wait_dma2 semaphore(%run_scoped3A : memref<!tpu.dma_semaphore, #tpu.memory_space<semaphore_mem>>) src(%dma_wait3A_185 : memref<100xi32, #tpu.memory_space<hbm>>) dst(%arg10 : memref<100xi32, #tpu.memory_space<vmem>>)
      tpu.yield
    }) : () -> ()
    %add3A_15 = arith.constant 6 : i32
    %add3A_16 = arith.addi %mul3A_2, %add3A_15 : i32
    "tpu.region"() ({
      %run_scoped3A = tpu.sem_alloc : memref<!tpu.dma_semaphore, #tpu.memory_space<semaphore_mem>>
      %dma_start3A_174 = arith.constant 0 : i32
      %dma_start3A_175 = tpu.memref_slice %arg3[%add3A_16, %dma_start3A_174] : memref<16384x100xi32, #tpu.memory_space<hbm>> -> memref<1x100xi32, #tpu.memory_space<hbm>>
      %dma_start3A_176 = tpu.memref_squeeze %dma_start3A_175 : memref<1x100xi32, #tpu.memory_space<hbm>> -> memref<100xi32, #tpu.memory_space<hbm>>
      %dma_start3A_177 = arith.constant 0 : i32
      %dma_start3A_178 = tpu.memref_slice %arg3[%add3A_16, %dma_start3A_177] : memref<16384x100xi32, #tpu.memory_space<hbm>> -> memref<1x100xi32, #tpu.memory_space<hbm>>
      %dma_start3A_179 = tpu.memref_squeeze %dma_start3A_178 : memref<1x100xi32, #tpu.memory_space<hbm>> -> memref<100xi32, #tpu.memory_space<hbm>>
      tpu.enqueue_dma source(%dma_start3A_179 : memref<100xi32, #tpu.memory_space<hbm>>) target(%arg11 : memref<100xi32, #tpu.memory_space<vmem>>) target_semaphore(%run_scoped3A : memref<!tpu.dma_semaphore, #tpu.memory_space<semaphore_mem>>)
      %dma_wait3A_180 = arith.constant 0 : i32
      %dma_wait3A_181 = tpu.memref_slice %arg3[%add3A_16, %dma_wait3A_180] : memref<16384x100xi32, #tpu.memory_space<hbm>> -> memref<1x100xi32, #tpu.memory_space<hbm>>
      %dma_wait3A_182 = tpu.memref_squeeze %dma_wait3A_181 : memref<1x100xi32, #tpu.memory_space<hbm>> -> memref<100xi32, #tpu.memory_space<hbm>>
      %dma_wait3A_183 = arith.constant 0 : i32
      %dma_wait3A_184 = tpu.memref_slice %arg3[%add3A_16, %dma_wait3A_183] : memref<16384x100xi32, #tpu.memory_space<hbm>> -> memref<1x100xi32, #tpu.memory_space<hbm>>
      %dma_wait3A_185 = tpu.memref_squeeze %dma_wait3A_184 : memref<1x100xi32, #tpu.memory_space<hbm>> -> memref<100xi32, #tpu.memory_space<hbm>>
      tpu.wait_dma2 semaphore(%run_scoped3A : memref<!tpu.dma_semaphore, #tpu.memory_space<semaphore_mem>>) src(%dma_wait3A_185 : memref<100xi32, #tpu.memory_space<hbm>>) dst(%arg11 : memref<100xi32, #tpu.memory_space<vmem>>)
      tpu.yield
    }) : () -> ()
    %add3A_17 = arith.constant 7 : i32
    %add3A_18 = arith.addi %mul3A_2, %add3A_17 : i32
    "tpu.region"() ({
      %run_scoped3A = tpu.sem_alloc : memref<!tpu.dma_semaphore, #tpu.memory_space<semaphore_mem>>
      %dma_start3A_174 = arith.constant 0 : i32
      %dma_start3A_175 = tpu.memref_slice %arg3[%add3A_18, %dma_start3A_174] : memref<16384x100xi32, #tpu.memory_space<hbm>> -> memref<1x100xi32, #tpu.memory_space<hbm>>
      %dma_start3A_176 = tpu.memref_squeeze %dma_start3A_175 : memref<1x100xi32, #tpu.memory_space<hbm>> -> memref<100xi32, #tpu.memory_space<hbm>>
      %dma_start3A_177 = arith.constant 0 : i32
      %dma_start3A_178 = tpu.memref_slice %arg3[%add3A_18, %dma_start3A_177] : memref<16384x100xi32, #tpu.memory_space<hbm>> -> memref<1x100xi32, #tpu.memory_space<hbm>>
      %dma_start3A_179 = tpu.memref_squeeze %dma_start3A_178 : memref<1x100xi32, #tpu.memory_space<hbm>> -> memref<100xi32, #tpu.memory_space<hbm>>
      tpu.enqueue_dma source(%dma_start3A_179 : memref<100xi32, #tpu.memory_space<hbm>>) target(%arg12 : memref<100xi32, #tpu.memory_space<vmem>>) target_semaphore(%run_scoped3A : memref<!tpu.dma_semaphore, #tpu.memory_space<semaphore_mem>>)
      %dma_wait3A_180 = arith.constant 0 : i32
      %dma_wait3A_181 = tpu.memref_slice %arg3[%add3A_18, %dma_wait3A_180] : memref<16384x100xi32, #tpu.memory_space<hbm>> -> memref<1x100xi32, #tpu.memory_space<hbm>>
      %dma_wait3A_182 = tpu.memref_squeeze %dma_wait3A_181 : memref<1x100xi32, #tpu.memory_space<hbm>> -> memref<100xi32, #tpu.memory_space<hbm>>
      %dma_wait3A_183 = arith.constant 0 : i32
      %dma_wait3A_184 = tpu.memref_slice %arg3[%add3A_18, %dma_wait3A_183] : memref<16384x100xi32, #tpu.memory_space<hbm>> -> memref<1x100xi32, #tpu.memory_space<hbm>>
      %dma_wait3A_185 = tpu.memref_squeeze %dma_wait3A_184 : memref<1x100xi32, #tpu.memory_space<hbm>> -> memref<100xi32, #tpu.memory_space<hbm>>
      tpu.wait_dma2 semaphore(%run_scoped3A : memref<!tpu.dma_semaphore, #tpu.memory_space<semaphore_mem>>) src(%dma_wait3A_185 : memref<100xi32, #tpu.memory_space<hbm>>) dst(%arg12 : memref<100xi32, #tpu.memory_space<vmem>>)
      tpu.yield
    }) : () -> ()
    %dma_start3A = arith.constant 0 : i32
    %dma_start3A_19 = arith.constant 0 : i32
    %dma_start3A_20 = arith.constant 0 : i32
    %dma_start3A_21 = tpu.memref_slice %arg21[%dma_start3A, %dma_start3A_19, %dma_start3A_20] : memref<8x100x64xf32, #tpu.memory_space<vmem>> -> memref<1x100x64xf32, #tpu.memory_space<vmem>>
    %dma_start3A_22 = tpu.memref_squeeze %dma_start3A_21 : memref<1x100x64xf32, #tpu.memory_space<vmem>> -> memref<100x64xf32, #tpu.memory_space<vmem>>
    %dma_start3A_23 = arith.constant 0 : i32
    %dma_start3A_24 = arith.constant 0 : i32
    %dma_start3A_25 = tpu.memref_slice %arg2[%dma_start3A_23, %dma_start3A_24] : memref<1000000x64xf32, #tpu.memory_space<hbm>> -> memref<1000000x64xf32, #tpu.memory_space<hbm>>
    tpu.enqueue_indirect_dma source(%dma_start3A_25 : memref<1000000x64xf32, #tpu.memory_space<hbm>>) target(%dma_start3A_22 : memref<100x64xf32, #tpu.memory_space<vmem>>) offsets(%arg5 : memref<100xi32, #tpu.memory_space<vmem>>) semaphore(%arg23 : memref<!tpu.dma_semaphore, #tpu.memory_space<semaphore_mem>>)
    %dma_start3A_26 = arith.constant 1 : i32
    %dma_start3A_27 = arith.constant 0 : i32
    %dma_start3A_28 = arith.constant 0 : i32
    %dma_start3A_29 = tpu.memref_slice %arg21[%dma_start3A_26, %dma_start3A_27, %dma_start3A_28] : memref<8x100x64xf32, #tpu.memory_space<vmem>> -> memref<1x100x64xf32, #tpu.memory_space<vmem>>
    %dma_start3A_30 = tpu.memref_squeeze %dma_start3A_29 : memref<1x100x64xf32, #tpu.memory_space<vmem>> -> memref<100x64xf32, #tpu.memory_space<vmem>>
    %dma_start3A_31 = arith.constant 0 : i32
    %dma_start3A_32 = arith.constant 0 : i32
    %dma_start3A_33 = tpu.memref_slice %arg2[%dma_start3A_31, %dma_start3A_32] : memref<1000000x64xf32, #tpu.memory_space<hbm>> -> memref<1000000x64xf32, #tpu.memory_space<hbm>>
    tpu.enqueue_indirect_dma source(%dma_start3A_33 : memref<1000000x64xf32, #tpu.memory_space<hbm>>) target(%dma_start3A_30 : memref<100x64xf32, #tpu.memory_space<vmem>>) offsets(%arg6 : memref<100xi32, #tpu.memory_space<vmem>>) semaphore(%arg23 : memref<!tpu.dma_semaphore, #tpu.memory_space<semaphore_mem>>)
    %dma_start3A_34 = arith.constant 2 : i32
    %dma_start3A_35 = arith.constant 0 : i32
    %dma_start3A_36 = arith.constant 0 : i32
    %dma_start3A_37 = tpu.memref_slice %arg21[%dma_start3A_34, %dma_start3A_35, %dma_start3A_36] : memref<8x100x64xf32, #tpu.memory_space<vmem>> -> memref<1x100x64xf32, #tpu.memory_space<vmem>>
    %dma_start3A_38 = tpu.memref_squeeze %dma_start3A_37 : memref<1x100x64xf32, #tpu.memory_space<vmem>> -> memref<100x64xf32, #tpu.memory_space<vmem>>
    %dma_start3A_39 = arith.constant 0 : i32
    %dma_start3A_40 = arith.constant 0 : i32
    %dma_start3A_41 = tpu.memref_slice %arg2[%dma_start3A_39, %dma_start3A_40] : memref<1000000x64xf32, #tpu.memory_space<hbm>> -> memref<1000000x64xf32, #tpu.memory_space<hbm>>
    tpu.enqueue_indirect_dma source(%dma_start3A_41 : memref<1000000x64xf32, #tpu.memory_space<hbm>>) target(%dma_start3A_38 : memref<100x64xf32, #tpu.memory_space<vmem>>) offsets(%arg7 : memref<100xi32, #tpu.memory_space<vmem>>) semaphore(%arg23 : memref<!tpu.dma_semaphore, #tpu.memory_space<semaphore_mem>>)
    %dma_start3A_42 = arith.constant 3 : i32
    %dma_start3A_43 = arith.constant 0 : i32
    %dma_start3A_44 = arith.constant 0 : i32
    %dma_start3A_45 = tpu.memref_slice %arg21[%dma_start3A_42, %dma_start3A_43, %dma_start3A_44] : memref<8x100x64xf32, #tpu.memory_space<vmem>> -> memref<1x100x64xf32, #tpu.memory_space<vmem>>
    %dma_start3A_46 = tpu.memref_squeeze %dma_start3A_45 : memref<1x100x64xf32, #tpu.memory_space<vmem>> -> memref<100x64xf32, #tpu.memory_space<vmem>>
    %dma_start3A_47 = arith.constant 0 : i32
    %dma_start3A_48 = arith.constant 0 : i32
    %dma_start3A_49 = tpu.memref_slice %arg2[%dma_start3A_47, %dma_start3A_48] : memref<1000000x64xf32, #tpu.memory_space<hbm>> -> memref<1000000x64xf32, #tpu.memory_space<hbm>>
    tpu.enqueue_indirect_dma source(%dma_start3A_49 : memref<1000000x64xf32, #tpu.memory_space<hbm>>) target(%dma_start3A_46 : memref<100x64xf32, #tpu.memory_space<vmem>>) offsets(%arg8 : memref<100xi32, #tpu.memory_space<vmem>>) semaphore(%arg23 : memref<!tpu.dma_semaphore, #tpu.memory_space<semaphore_mem>>)
    %dma_start3A_50 = arith.constant 4 : i32
    %dma_start3A_51 = arith.constant 0 : i32
    %dma_start3A_52 = arith.constant 0 : i32
    %dma_start3A_53 = tpu.memref_slice %arg21[%dma_start3A_50, %dma_start3A_51, %dma_start3A_52] : memref<8x100x64xf32, #tpu.memory_space<vmem>> -> memref<1x100x64xf32, #tpu.memory_space<vmem>>
    %dma_start3A_54 = tpu.memref_squeeze %dma_start3A_53 : memref<1x100x64xf32, #tpu.memory_space<vmem>> -> memref<100x64xf32, #tpu.memory_space<vmem>>
    %dma_start3A_55 = arith.constant 0 : i32
    %dma_start3A_56 = arith.constant 0 : i32
    %dma_start3A_57 = tpu.memref_slice %arg2[%dma_start3A_55, %dma_start3A_56] : memref<1000000x64xf32, #tpu.memory_space<hbm>> -> memref<1000000x64xf32, #tpu.memory_space<hbm>>
    tpu.enqueue_indirect_dma source(%dma_start3A_57 : memref<1000000x64xf32, #tpu.memory_space<hbm>>) target(%dma_start3A_54 : memref<100x64xf32, #tpu.memory_space<vmem>>) offsets(%arg9 : memref<100xi32, #tpu.memory_space<vmem>>) semaphore(%arg23 : memref<!tpu.dma_semaphore, #tpu.memory_space<semaphore_mem>>)
    %dma_start3A_58 = arith.constant 5 : i32
    %dma_start3A_59 = arith.constant 0 : i32
    %dma_start3A_60 = arith.constant 0 : i32
    %dma_start3A_61 = tpu.memref_slice %arg21[%dma_start3A_58, %dma_start3A_59, %dma_start3A_60] : memref<8x100x64xf32, #tpu.memory_space<vmem>> -> memref<1x100x64xf32, #tpu.memory_space<vmem>>
    %dma_start3A_62 = tpu.memref_squeeze %dma_start3A_61 : memref<1x100x64xf32, #tpu.memory_space<vmem>> -> memref<100x64xf32, #tpu.memory_space<vmem>>
    %dma_start3A_63 = arith.constant 0 : i32
    %dma_start3A_64 = arith.constant 0 : i32
    %dma_start3A_65 = tpu.memref_slice %arg2[%dma_start3A_63, %dma_start3A_64] : memref<1000000x64xf32, #tpu.memory_space<hbm>> -> memref<1000000x64xf32, #tpu.memory_space<hbm>>
    tpu.enqueue_indirect_dma source(%dma_start3A_65 : memref<1000000x64xf32, #tpu.memory_space<hbm>>) target(%dma_start3A_62 : memref<100x64xf32, #tpu.memory_space<vmem>>) offsets(%arg10 : memref<100xi32, #tpu.memory_space<vmem>>) semaphore(%arg23 : memref<!tpu.dma_semaphore, #tpu.memory_space<semaphore_mem>>)
    %dma_start3A_66 = arith.constant 6 : i32
    %dma_start3A_67 = arith.constant 0 : i32
    %dma_start3A_68 = arith.constant 0 : i32
    %dma_start3A_69 = tpu.memref_slice %arg21[%dma_start3A_66, %dma_start3A_67, %dma_start3A_68] : memref<8x100x64xf32, #tpu.memory_space<vmem>> -> memref<1x100x64xf32, #tpu.memory_space<vmem>>
    %dma_start3A_70 = tpu.memref_squeeze %dma_start3A_69 : memref<1x100x64xf32, #tpu.memory_space<vmem>> -> memref<100x64xf32, #tpu.memory_space<vmem>>
    %dma_start3A_71 = arith.constant 0 : i32
    %dma_start3A_72 = arith.constant 0 : i32
    %dma_start3A_73 = tpu.memref_slice %arg2[%dma_start3A_71, %dma_start3A_72] : memref<1000000x64xf32, #tpu.memory_space<hbm>> -> memref<1000000x64xf32, #tpu.memory_space<hbm>>
    tpu.enqueue_indirect_dma source(%dma_start3A_73 : memref<1000000x64xf32, #tpu.memory_space<hbm>>) target(%dma_start3A_70 : memref<100x64xf32, #tpu.memory_space<vmem>>) offsets(%arg11 : memref<100xi32, #tpu.memory_space<vmem>>) semaphore(%arg23 : memref<!tpu.dma_semaphore, #tpu.memory_space<semaphore_mem>>)
    %dma_start3A_74 = arith.constant 7 : i32
    %dma_start3A_75 = arith.constant 0 : i32
    %dma_start3A_76 = arith.constant 0 : i32
    %dma_start3A_77 = tpu.memref_slice %arg21[%dma_start3A_74, %dma_start3A_75, %dma_start3A_76] : memref<8x100x64xf32, #tpu.memory_space<vmem>> -> memref<1x100x64xf32, #tpu.memory_space<vmem>>
    %dma_start3A_78 = tpu.memref_squeeze %dma_start3A_77 : memref<1x100x64xf32, #tpu.memory_space<vmem>> -> memref<100x64xf32, #tpu.memory_space<vmem>>
    %dma_start3A_79 = arith.constant 0 : i32
    %dma_start3A_80 = arith.constant 0 : i32
    %dma_start3A_81 = tpu.memref_slice %arg2[%dma_start3A_79, %dma_start3A_80] : memref<1000000x64xf32, #tpu.memory_space<hbm>> -> memref<1000000x64xf32, #tpu.memory_space<hbm>>
    tpu.enqueue_indirect_dma source(%dma_start3A_81 : memref<1000000x64xf32, #tpu.memory_space<hbm>>) target(%dma_start3A_78 : memref<100x64xf32, #tpu.memory_space<vmem>>) offsets(%arg12 : memref<100xi32, #tpu.memory_space<vmem>>) semaphore(%arg23 : memref<!tpu.dma_semaphore, #tpu.memory_space<semaphore_mem>>)
    %add3A_82 = arith.constant 8 : i32
    %add3A_83 = arith.addi %mul3A_2, %add3A_82 : i32
    %add3A_84 = arith.constant 0 : i32
    %add3A_85 = arith.addi %add3A_83, %add3A_84 : i32
    %dma_start3A_86 = arith.constant 0 : i32
    %dma_start3A_87 = tpu.memref_slice %arg3[%add3A_85, %dma_start3A_86] : memref<16384x100xi32, #tpu.memory_space<hbm>> -> memref<1x100xi32, #tpu.memory_space<hbm>>
    %dma_start3A_88 = tpu.memref_squeeze %dma_start3A_87 : memref<1x100xi32, #tpu.memory_space<hbm>> -> memref<100xi32, #tpu.memory_space<hbm>>
    %dma_start3A_89 = arith.constant 0 : i32
    %dma_start3A_90 = tpu.memref_slice %arg3[%add3A_85, %dma_start3A_89] : memref<16384x100xi32, #tpu.memory_space<hbm>> -> memref<1x100xi32, #tpu.memory_space<hbm>>
    %dma_start3A_91 = tpu.memref_squeeze %dma_start3A_90 : memref<1x100xi32, #tpu.memory_space<hbm>> -> memref<100xi32, #tpu.memory_space<hbm>>
    tpu.enqueue_dma source(%dma_start3A_91 : memref<100xi32, #tpu.memory_space<hbm>>) target(%arg13 : memref<100xi32, #tpu.memory_space<vmem>>) target_semaphore(%arg26 : memref<!tpu.dma_semaphore, #tpu.memory_space<semaphore_mem>>)
    %add3A_92 = arith.constant 8 : i32
    %add3A_93 = arith.addi %mul3A_2, %add3A_92 : i32
    %add3A_94 = arith.constant 1 : i32
    %add3A_95 = arith.addi %add3A_93, %add3A_94 : i32
    %dma_start3A_96 = arith.constant 0 : i32
    %dma_start3A_97 = tpu.memref_slice %arg3[%add3A_95, %dma_start3A_96] : memref<16384x100xi32, #tpu.memory_space<hbm>> -> memref<1x100xi32, #tpu.memory_space<hbm>>
    %dma_start3A_98 = tpu.memref_squeeze %dma_start3A_97 : memref<1x100xi32, #tpu.memory_space<hbm>> -> memref<100xi32, #tpu.memory_space<hbm>>
    %dma_start3A_99 = arith.constant 0 : i32
    %dma_start3A_100 = tpu.memref_slice %arg3[%add3A_95, %dma_start3A_99] : memref<16384x100xi32, #tpu.memory_space<hbm>> -> memref<1x100xi32, #tpu.memory_space<hbm>>
    %dma_start3A_101 = tpu.memref_squeeze %dma_start3A_100 : memref<1x100xi32, #tpu.memory_space<hbm>> -> memref<100xi32, #tpu.memory_space<hbm>>
    tpu.enqueue_dma source(%dma_start3A_101 : memref<100xi32, #tpu.memory_space<hbm>>) target(%arg14 : memref<100xi32, #tpu.memory_space<vmem>>) target_semaphore(%arg26 : memref<!tpu.dma_semaphore, #tpu.memory_space<semaphore_mem>>)
    %add3A_102 = arith.constant 8 : i32
    %add3A_103 = arith.addi %mul3A_2, %add3A_102 : i32
    %add3A_104 = arith.constant 2 : i32
    %add3A_105 = arith.addi %add3A_103, %add3A_104 : i32
    %dma_start3A_106 = arith.constant 0 : i32
    %dma_start3A_107 = tpu.memref_slice %arg3[%add3A_105, %dma_start3A_106] : memref<16384x100xi32, #tpu.memory_space<hbm>> -> memref<1x100xi32, #tpu.memory_space<hbm>>
    %dma_start3A_108 = tpu.memref_squeeze %dma_start3A_107 : memref<1x100xi32, #tpu.memory_space<hbm>> -> memref<100xi32, #tpu.memory_space<hbm>>
    %dma_start3A_109 = arith.constant 0 : i32
    %dma_start3A_110 = tpu.memref_slice %arg3[%add3A_105, %dma_start3A_109] : memref<16384x100xi32, #tpu.memory_space<hbm>> -> memref<1x100xi32, #tpu.memory_space<hbm>>
    %dma_start3A_111 = tpu.memref_squeeze %dma_start3A_110 : memref<1x100xi32, #tpu.memory_space<hbm>> -> memref<100xi32, #tpu.memory_space<hbm>>
    tpu.enqueue_dma source(%dma_start3A_111 : memref<100xi32, #tpu.memory_space<hbm>>) target(%arg15 : memref<100xi32, #tpu.memory_space<vmem>>) target_semaphore(%arg26 : memref<!tpu.dma_semaphore, #tpu.memory_space<semaphore_mem>>)
    %add3A_112 = arith.constant 8 : i32
    %add3A_113 = arith.addi %mul3A_2, %add3A_112 : i32
    %add3A_114 = arith.constant 3 : i32
    %add3A_115 = arith.addi %add3A_113, %add3A_114 : i32
    %dma_start3A_116 = arith.constant 0 : i32
    %dma_start3A_117 = tpu.memref_slice %arg3[%add3A_115, %dma_start3A_116] : memref<16384x100xi32, #tpu.memory_space<hbm>> -> memref<1x100xi32, #tpu.memory_space<hbm>>
    %dma_start3A_118 = tpu.memref_squeeze %dma_start3A_117 : memref<1x100xi32, #tpu.memory_space<hbm>> -> memref<100xi32, #tpu.memory_space<hbm>>
    %dma_start3A_119 = arith.constant 0 : i32
    %dma_start3A_120 = tpu.memref_slice %arg3[%add3A_115, %dma_start3A_119] : memref<16384x100xi32, #tpu.memory_space<hbm>> -> memref<1x100xi32, #tpu.memory_space<hbm>>
    %dma_start3A_121 = tpu.memref_squeeze %dma_start3A_120 : memref<1x100xi32, #tpu.memory_space<hbm>> -> memref<100xi32, #tpu.memory_space<hbm>>
    tpu.enqueue_dma source(%dma_start3A_121 : memref<100xi32, #tpu.memory_space<hbm>>) target(%arg16 : memref<100xi32, #tpu.memory_space<vmem>>) target_semaphore(%arg26 : memref<!tpu.dma_semaphore, #tpu.memory_space<semaphore_mem>>)
    %add3A_122 = arith.constant 8 : i32
    %add3A_123 = arith.addi %mul3A_2, %add3A_122 : i32
    %add3A_124 = arith.constant 4 : i32
    %add3A_125 = arith.addi %add3A_123, %add3A_124 : i32
    %dma_start3A_126 = arith.constant 0 : i32
    %dma_start3A_127 = tpu.memref_slice %arg3[%add3A_125, %dma_start3A_126] : memref<16384x100xi32, #tpu.memory_space<hbm>> -> memref<1x100xi32, #tpu.memory_space<hbm>>
    %dma_start3A_128 = tpu.memref_squeeze %dma_start3A_127 : memref<1x100xi32, #tpu.memory_space<hbm>> -> memref<100xi32, #tpu.memory_space<hbm>>
    %dma_start3A_129 = arith.constant 0 : i32
    %dma_start3A_130 = tpu.memref_slice %arg3[%add3A_125, %dma_start3A_129] : memref<16384x100xi32, #tpu.memory_space<hbm>> -> memref<1x100xi32, #tpu.memory_space<hbm>>
    %dma_start3A_131 = tpu.memref_squeeze %dma_start3A_130 : memref<1x100xi32, #tpu.memory_space<hbm>> -> memref<100xi32, #tpu.memory_space<hbm>>
    tpu.enqueue_dma source(%dma_start3A_131 : memref<100xi32, #tpu.memory_space<hbm>>) target(%arg17 : memref<100xi32, #tpu.memory_space<vmem>>) target_semaphore(%arg26 : memref<!tpu.dma_semaphore, #tpu.memory_space<semaphore_mem>>)
    %add3A_132 = arith.constant 8 : i32
    %add3A_133 = arith.addi %mul3A_2, %add3A_132 : i32
    %add3A_134 = arith.constant 5 : i32
    %add3A_135 = arith.addi %add3A_133, %add3A_134 : i32
    %dma_start3A_136 = arith.constant 0 : i32
    %dma_start3A_137 = tpu.memref_slice %arg3[%add3A_135, %dma_start3A_136] : memref<16384x100xi32, #tpu.memory_space<hbm>> -> memref<1x100xi32, #tpu.memory_space<hbm>>
    %dma_start3A_138 = tpu.memref_squeeze %dma_start3A_137 : memref<1x100xi32, #tpu.memory_space<hbm>> -> memref<100xi32, #tpu.memory_space<hbm>>
    %dma_start3A_139 = arith.constant 0 : i32
    %dma_start3A_140 = tpu.memref_slice %arg3[%add3A_135, %dma_start3A_139] : memref<16384x100xi32, #tpu.memory_space<hbm>> -> memref<1x100xi32, #tpu.memory_space<hbm>>
    %dma_start3A_141 = tpu.memref_squeeze %dma_start3A_140 : memref<1x100xi32, #tpu.memory_space<hbm>> -> memref<100xi32, #tpu.memory_space<hbm>>
    tpu.enqueue_dma source(%dma_start3A_141 : memref<100xi32, #tpu.memory_space<hbm>>) target(%arg18 : memref<100xi32, #tpu.memory_space<vmem>>) target_semaphore(%arg26 : memref<!tpu.dma_semaphore, #tpu.memory_space<semaphore_mem>>)
    %add3A_142 = arith.constant 8 : i32
    %add3A_143 = arith.addi %mul3A_2, %add3A_142 : i32
    %add3A_144 = arith.constant 6 : i32
    %add3A_145 = arith.addi %add3A_143, %add3A_144 : i32
    %dma_start3A_146 = arith.constant 0 : i32
    %dma_start3A_147 = tpu.memref_slice %arg3[%add3A_145, %dma_start3A_146] : memref<16384x100xi32, #tpu.memory_space<hbm>> -> memref<1x100xi32, #tpu.memory_space<hbm>>
    %dma_start3A_148 = tpu.memref_squeeze %dma_start3A_147 : memref<1x100xi32, #tpu.memory_space<hbm>> -> memref<100xi32, #tpu.memory_space<hbm>>
    %dma_start3A_149 = arith.constant 0 : i32
    %dma_start3A_150 = tpu.memref_slice %arg3[%add3A_145, %dma_start3A_149] : memref<16384x100xi32, #tpu.memory_space<hbm>> -> memref<1x100xi32, #tpu.memory_space<hbm>>
    %dma_start3A_151 = tpu.memref_squeeze %dma_start3A_150 : memref<1x100xi32, #tpu.memory_space<hbm>> -> memref<100xi32, #tpu.memory_space<hbm>>
    tpu.enqueue_dma source(%dma_start3A_151 : memref<100xi32, #tpu.memory_space<hbm>>) target(%arg19 : memref<100xi32, #tpu.memory_space<vmem>>) target_semaphore(%arg26 : memref<!tpu.dma_semaphore, #tpu.memory_space<semaphore_mem>>)
    %add3A_152 = arith.constant 8 : i32
    %add3A_153 = arith.addi %mul3A_2, %add3A_152 : i32
    %add3A_154 = arith.constant 7 : i32
    %add3A_155 = arith.addi %add3A_153, %add3A_154 : i32
    %dma_start3A_156 = arith.constant 0 : i32
    %dma_start3A_157 = tpu.memref_slice %arg3[%add3A_155, %dma_start3A_156] : memref<16384x100xi32, #tpu.memory_space<hbm>> -> memref<1x100xi32, #tpu.memory_space<hbm>>
    %dma_start3A_158 = tpu.memref_squeeze %dma_start3A_157 : memref<1x100xi32, #tpu.memory_space<hbm>> -> memref<100xi32, #tpu.memory_space<hbm>>
    %dma_start3A_159 = arith.constant 0 : i32
    %dma_start3A_160 = tpu.memref_slice %arg3[%add3A_155, %dma_start3A_159] : memref<16384x100xi32, #tpu.memory_space<hbm>> -> memref<1x100xi32, #tpu.memory_space<hbm>>
    %dma_start3A_161 = tpu.memref_squeeze %dma_start3A_160 : memref<1x100xi32, #tpu.memory_space<hbm>> -> memref<100xi32, #tpu.memory_space<hbm>>
    tpu.enqueue_dma source(%dma_start3A_161 : memref<100xi32, #tpu.memory_space<hbm>>) target(%arg20 : memref<100xi32, #tpu.memory_space<vmem>>) target_semaphore(%arg26 : memref<!tpu.dma_semaphore, #tpu.memory_space<semaphore_mem>>)
    %scan3A = arith.constant 0 : i32
    %scan3A_162 = arith.constant 0 : i32
    %scan3A_163 = arith.constant 32 : i32
    %scan3A_164 = arith.addi %scan3A_162, %scan3A_163 : i32
    %scan3A_165 = arith.constant 1 : i32
    scf.for %scan3A_174 = %scan3A_162 to %scan3A_164 step %scan3A_165  : i32 {
      %mul3A_175 = arith.constant 2 : i32
      %mul3A_176 = arith.muli %mul3A_175, %scan3A_174 : i32
      %add3A_177 = arith.constant 0 : i32
      %add3A_178 = arith.addi %mul3A_176, %add3A_177 : i32
      %add3A_179 = arith.constant 1 : i32
      %add3A_180 = arith.addi %add3A_178, %add3A_179 : i32
      %lt3A = arith.constant 64 : i32
      %lt3A_181 = arith.cmpi slt, %add3A_180, %lt3A : i32
      %convert_element_type3A = arith.extui %lt3A_181 : i1 to i32
      %cond3A = arith.constant 0 : i32
      %cond3A_182 = arith.cmpi ne, %convert_element_type3A, %cond3A : i32
      scf.if %cond3A_182 {
        %add3A_377 = arith.constant 1 : i32
        %add3A_378 = arith.addi %add3A_178, %add3A_377 : i32
        %mul3A_379 = arith.constant 8 : i32
        %mul3A_380 = arith.muli %add3A_378, %mul3A_379 : i32
        %add3A_381 = arith.addi %mul3A_2, %mul3A_380 : i32
        %add3A_382 = arith.constant 0 : i32
        %add3A_383 = arith.addi %add3A_381, %add3A_382 : i32
        %dma_wait3A_384 = arith.constant 0 : i32
        %dma_wait3A_385 = tpu.memref_slice %arg3[%add3A_383, %dma_wait3A_384] : memref<16384x100xi32, #tpu.memory_space<hbm>> -> memref<1x100xi32, #tpu.memory_space<hbm>>
        %dma_wait3A_386 = tpu.memref_squeeze %dma_wait3A_385 : memref<1x100xi32, #tpu.memory_space<hbm>> -> memref<100xi32, #tpu.memory_space<hbm>>
        %dma_wait3A_387 = arith.constant 0 : i32
        %dma_wait3A_388 = tpu.memref_slice %arg3[%add3A_383, %dma_wait3A_387] : memref<16384x100xi32, #tpu.memory_space<hbm>> -> memref<1x100xi32, #tpu.memory_space<hbm>>
        %dma_wait3A_389 = tpu.memref_squeeze %dma_wait3A_388 : memref<1x100xi32, #tpu.memory_space<hbm>> -> memref<100xi32, #tpu.memory_space<hbm>>
        tpu.wait_dma2 semaphore(%arg26 : memref<!tpu.dma_semaphore, #tpu.memory_space<semaphore_mem>>) src(%dma_wait3A_389 : memref<100xi32, #tpu.memory_space<hbm>>) dst(%arg13 : memref<100xi32, #tpu.memory_space<vmem>>)
        %mul3A_390 = arith.constant 8 : i32
        %mul3A_391 = arith.muli %add3A_378, %mul3A_390 : i32
        %add3A_392 = arith.addi %mul3A_2, %mul3A_391 : i32
        %add3A_393 = arith.constant 1 : i32
        %add3A_394 = arith.addi %add3A_392, %add3A_393 : i32
        %dma_wait3A_395 = arith.constant 0 : i32
        %dma_wait3A_396 = tpu.memref_slice %arg3[%add3A_394, %dma_wait3A_395] : memref<16384x100xi32, #tpu.memory_space<hbm>> -> memref<1x100xi32, #tpu.memory_space<hbm>>
        %dma_wait3A_397 = tpu.memref_squeeze %dma_wait3A_396 : memref<1x100xi32, #tpu.memory_space<hbm>> -> memref<100xi32, #tpu.memory_space<hbm>>
        %dma_wait3A_398 = arith.constant 0 : i32
        %dma_wait3A_399 = tpu.memref_slice %arg3[%add3A_394, %dma_wait3A_398] : memref<16384x100xi32, #tpu.memory_space<hbm>> -> memref<1x100xi32, #tpu.memory_space<hbm>>
        %dma_wait3A_400 = tpu.memref_squeeze %dma_wait3A_399 : memref<1x100xi32, #tpu.memory_space<hbm>> -> memref<100xi32, #tpu.memory_space<hbm>>
        tpu.wait_dma2 semaphore(%arg26 : memref<!tpu.dma_semaphore, #tpu.memory_space<semaphore_mem>>) src(%dma_wait3A_400 : memref<100xi32, #tpu.memory_space<hbm>>) dst(%arg14 : memref<100xi32, #tpu.memory_space<vmem>>)
        %mul3A_401 = arith.constant 8 : i32
        %mul3A_402 = arith.muli %add3A_378, %mul3A_401 : i32
        %add3A_403 = arith.addi %mul3A_2, %mul3A_402 : i32
        %add3A_404 = arith.constant 2 : i32
        %add3A_405 = arith.addi %add3A_403, %add3A_404 : i32
        %dma_wait3A_406 = arith.constant 0 : i32
        %dma_wait3A_407 = tpu.memref_slice %arg3[%add3A_405, %dma_wait3A_406] : memref<16384x100xi32, #tpu.memory_space<hbm>> -> memref<1x100xi32, #tpu.memory_space<hbm>>
        %dma_wait3A_408 = tpu.memref_squeeze %dma_wait3A_407 : memref<1x100xi32, #tpu.memory_space<hbm>> -> memref<100xi32, #tpu.memory_space<hbm>>
        %dma_wait3A_409 = arith.constant 0 : i32
        %dma_wait3A_410 = tpu.memref_slice %arg3[%add3A_405, %dma_wait3A_409] : memref<16384x100xi32, #tpu.memory_space<hbm>> -> memref<1x100xi32, #tpu.memory_space<hbm>>
        %dma_wait3A_411 = tpu.memref_squeeze %dma_wait3A_410 : memref<1x100xi32, #tpu.memory_space<hbm>> -> memref<100xi32, #tpu.memory_space<hbm>>
        tpu.wait_dma2 semaphore(%arg26 : memref<!tpu.dma_semaphore, #tpu.memory_space<semaphore_mem>>) src(%dma_wait3A_411 : memref<100xi32, #tpu.memory_space<hbm>>) dst(%arg15 : memref<100xi32, #tpu.memory_space<vmem>>)
        %mul3A_412 = arith.constant 8 : i32
        %mul3A_413 = arith.muli %add3A_378, %mul3A_412 : i32
        %add3A_414 = arith.addi %mul3A_2, %mul3A_413 : i32
        %add3A_415 = arith.constant 3 : i32
        %add3A_416 = arith.addi %add3A_414, %add3A_415 : i32
        %dma_wait3A_417 = arith.constant 0 : i32
        %dma_wait3A_418 = tpu.memref_slice %arg3[%add3A_416, %dma_wait3A_417] : memref<16384x100xi32, #tpu.memory_space<hbm>> -> memref<1x100xi32, #tpu.memory_space<hbm>>
        %dma_wait3A_419 = tpu.memref_squeeze %dma_wait3A_418 : memref<1x100xi32, #tpu.memory_space<hbm>> -> memref<100xi32, #tpu.memory_space<hbm>>
        %dma_wait3A_420 = arith.constant 0 : i32
        %dma_wait3A_421 = tpu.memref_slice %arg3[%add3A_416, %dma_wait3A_420] : memref<16384x100xi32, #tpu.memory_space<hbm>> -> memref<1x100xi32, #tpu.memory_space<hbm>>
        %dma_wait3A_422 = tpu.memref_squeeze %dma_wait3A_421 : memref<1x100xi32, #tpu.memory_space<hbm>> -> memref<100xi32, #tpu.memory_space<hbm>>
        tpu.wait_dma2 semaphore(%arg26 : memref<!tpu.dma_semaphore, #tpu.memory_space<semaphore_mem>>) src(%dma_wait3A_422 : memref<100xi32, #tpu.memory_space<hbm>>) dst(%arg16 : memref<100xi32, #tpu.memory_space<vmem>>)
        %mul3A_423 = arith.constant 8 : i32
        %mul3A_424 = arith.muli %add3A_378, %mul3A_423 : i32
        %add3A_425 = arith.addi %mul3A_2, %mul3A_424 : i32
        %add3A_426 = arith.constant 4 : i32
        %add3A_427 = arith.addi %add3A_425, %add3A_426 : i32
        %dma_wait3A_428 = arith.constant 0 : i32
        %dma_wait3A_429 = tpu.memref_slice %arg3[%add3A_427, %dma_wait3A_428] : memref<16384x100xi32, #tpu.memory_space<hbm>> -> memref<1x100xi32, #tpu.memory_space<hbm>>
        %dma_wait3A_430 = tpu.memref_squeeze %dma_wait3A_429 : memref<1x100xi32, #tpu.memory_space<hbm>> -> memref<100xi32, #tpu.memory_space<hbm>>
        %dma_wait3A_431 = arith.constant 0 : i32
        %dma_wait3A_432 = tpu.memref_slice %arg3[%add3A_427, %dma_wait3A_431] : memref<16384x100xi32, #tpu.memory_space<hbm>> -> memref<1x100xi32, #tpu.memory_space<hbm>>
        %dma_wait3A_433 = tpu.memref_squeeze %dma_wait3A_432 : memref<1x100xi32, #tpu.memory_space<hbm>> -> memref<100xi32, #tpu.memory_space<hbm>>
        tpu.wait_dma2 semaphore(%arg26 : memref<!tpu.dma_semaphore, #tpu.memory_space<semaphore_mem>>) src(%dma_wait3A_433 : memref<100xi32, #tpu.memory_space<hbm>>) dst(%arg17 : memref<100xi32, #tpu.memory_space<vmem>>)
        %mul3A_434 = arith.constant 8 : i32
        %mul3A_435 = arith.muli %add3A_378, %mul3A_434 : i32
        %add3A_436 = arith.addi %mul3A_2, %mul3A_435 : i32
        %add3A_437 = arith.constant 5 : i32
        %add3A_438 = arith.addi %add3A_436, %add3A_437 : i32
        %dma_wait3A_439 = arith.constant 0 : i32
        %dma_wait3A_440 = tpu.memref_slice %arg3[%add3A_438, %dma_wait3A_439] : memref<16384x100xi32, #tpu.memory_space<hbm>> -> memref<1x100xi32, #tpu.memory_space<hbm>>
        %dma_wait3A_441 = tpu.memref_squeeze %dma_wait3A_440 : memref<1x100xi32, #tpu.memory_space<hbm>> -> memref<100xi32, #tpu.memory_space<hbm>>
        %dma_wait3A_442 = arith.constant 0 : i32
        %dma_wait3A_443 = tpu.memref_slice %arg3[%add3A_438, %dma_wait3A_442] : memref<16384x100xi32, #tpu.memory_space<hbm>> -> memref<1x100xi32, #tpu.memory_space<hbm>>
        %dma_wait3A_444 = tpu.memref_squeeze %dma_wait3A_443 : memref<1x100xi32, #tpu.memory_space<hbm>> -> memref<100xi32, #tpu.memory_space<hbm>>
        tpu.wait_dma2 semaphore(%arg26 : memref<!tpu.dma_semaphore, #tpu.memory_space<semaphore_mem>>) src(%dma_wait3A_444 : memref<100xi32, #tpu.memory_space<hbm>>) dst(%arg18 : memref<100xi32, #tpu.memory_space<vmem>>)
        %mul3A_445 = arith.constant 8 : i32
        %mul3A_446 = arith.muli %add3A_378, %mul3A_445 : i32
        %add3A_447 = arith.addi %mul3A_2, %mul3A_446 : i32
        %add3A_448 = arith.constant 6 : i32
        %add3A_449 = arith.addi %add3A_447, %add3A_448 : i32
        %dma_wait3A_450 = arith.constant 0 : i32
        %dma_wait3A_451 = tpu.memref_slice %arg3[%add3A_449, %dma_wait3A_450] : memref<16384x100xi32, #tpu.memory_space<hbm>> -> memref<1x100xi32, #tpu.memory_space<hbm>>
        %dma_wait3A_452 = tpu.memref_squeeze %dma_wait3A_451 : memref<1x100xi32, #tpu.memory_space<hbm>> -> memref<100xi32, #tpu.memory_space<hbm>>
        %dma_wait3A_453 = arith.constant 0 : i32
        %dma_wait3A_454 = tpu.memref_slice %arg3[%add3A_449, %dma_wait3A_453] : memref<16384x100xi32, #tpu.memory_space<hbm>> -> memref<1x100xi32, #tpu.memory_space<hbm>>
        %dma_wait3A_455 = tpu.memref_squeeze %dma_wait3A_454 : memref<1x100xi32, #tpu.memory_space<hbm>> -> memref<100xi32, #tpu.memory_space<hbm>>
        tpu.wait_dma2 semaphore(%arg26 : memref<!tpu.dma_semaphore, #tpu.memory_space<semaphore_mem>>) src(%dma_wait3A_455 : memref<100xi32, #tpu.memory_space<hbm>>) dst(%arg19 : memref<100xi32, #tpu.memory_space<vmem>>)
        %mul3A_456 = arith.constant 8 : i32
        %mul3A_457 = arith.muli %add3A_378, %mul3A_456 : i32
        %add3A_458 = arith.addi %mul3A_2, %mul3A_457 : i32
        %add3A_459 = arith.constant 7 : i32
        %add3A_460 = arith.addi %add3A_458, %add3A_459 : i32
        %dma_wait3A_461 = arith.constant 0 : i32
        %dma_wait3A_462 = tpu.memref_slice %arg3[%add3A_460, %dma_wait3A_461] : memref<16384x100xi32, #tpu.memory_space<hbm>> -> memref<1x100xi32, #tpu.memory_space<hbm>>
        %dma_wait3A_463 = tpu.memref_squeeze %dma_wait3A_462 : memref<1x100xi32, #tpu.memory_space<hbm>> -> memref<100xi32, #tpu.memory_space<hbm>>
        %dma_wait3A_464 = arith.constant 0 : i32
        %dma_wait3A_465 = tpu.memref_slice %arg3[%add3A_460, %dma_wait3A_464] : memref<16384x100xi32, #tpu.memory_space<hbm>> -> memref<1x100xi32, #tpu.memory_space<hbm>>
        %dma_wait3A_466 = tpu.memref_squeeze %dma_wait3A_465 : memref<1x100xi32, #tpu.memory_space<hbm>> -> memref<100xi32, #tpu.memory_space<hbm>>
        tpu.wait_dma2 semaphore(%arg26 : memref<!tpu.dma_semaphore, #tpu.memory_space<semaphore_mem>>) src(%dma_wait3A_466 : memref<100xi32, #tpu.memory_space<hbm>>) dst(%arg20 : memref<100xi32, #tpu.memory_space<vmem>>)
      } else {
      }
      %gt3A = arith.constant 0 : i32
      %gt3A_183 = arith.cmpi sgt, %add3A_178, %gt3A : i32
      %convert_element_type3A_184 = arith.extui %gt3A_183 : i1 to i32
      %cond3A_185 = arith.constant 0 : i32
      %cond3A_186 = arith.cmpi ne, %convert_element_type3A_184, %cond3A_185 : i32
      scf.if %cond3A_186 {
        %sub3A = arith.constant 1 : i32
        %sub3A_377 = arith.subi %add3A_178, %sub3A : i32
        %mul3A_378 = arith.constant 8 : i32
        %mul3A_379 = arith.muli %sub3A_377, %mul3A_378 : i32
        %add3A_380 = arith.addi %mul3A_2, %mul3A_379 : i32
        %dma_wait3A_381 = arith.constant 0 : i32
        %dma_wait3A_382 = arith.constant 0 : i32
        %dma_wait3A_383 = tpu.memref_slice %arg4[%add3A_380, %dma_wait3A_381, %dma_wait3A_382] : memref<16384x100x64xf32, #tpu.memory_space<hbm>> -> memref<8x100x64xf32, #tpu.memory_space<hbm>>
        %dma_wait3A_384 = arith.constant 0 : i32
        %dma_wait3A_385 = arith.constant 0 : i32
        %dma_wait3A_386 = tpu.memref_slice %arg4[%add3A_380, %dma_wait3A_384, %dma_wait3A_385] : memref<16384x100x64xf32, #tpu.memory_space<hbm>> -> memref<8x100x64xf32, #tpu.memory_space<hbm>>
        tpu.wait_dma2 semaphore(%arg28 : memref<!tpu.dma_semaphore, #tpu.memory_space<semaphore_mem>>) src(%arg22 : memref<8x100x64xf32, #tpu.memory_space<vmem>>) dst(%dma_wait3A_386 : memref<8x100x64xf32, #tpu.memory_space<hbm>>)
      } else {
      }
      %add3A_187 = arith.constant 1 : i32
      %add3A_188 = arith.addi %add3A_178, %add3A_187 : i32
      %lt3A_189 = arith.constant 64 : i32
      %lt3A_190 = arith.cmpi slt, %add3A_188, %lt3A_189 : i32
      %convert_element_type3A_191 = arith.extui %lt3A_190 : i1 to i32
      %cond3A_192 = arith.constant 0 : i32
      %cond3A_193 = arith.cmpi ne, %convert_element_type3A_191, %cond3A_192 : i32
      scf.if %cond3A_193 {
        %dma_start3A_377 = arith.constant 0 : i32
        %dma_start3A_378 = arith.constant 0 : i32
        %dma_start3A_379 = arith.constant 0 : i32
        %dma_start3A_380 = tpu.memref_slice %arg22[%dma_start3A_377, %dma_start3A_378, %dma_start3A_379] : memref<8x100x64xf32, #tpu.memory_space<vmem>> -> memref<1x100x64xf32, #tpu.memory_space<vmem>>
        %dma_start3A_381 = tpu.memref_squeeze %dma_start3A_380 : memref<1x100x64xf32, #tpu.memory_space<vmem>> -> memref<100x64xf32, #tpu.memory_space<vmem>>
        %dma_start3A_382 = arith.constant 0 : i32
        %dma_start3A_383 = arith.constant 0 : i32
        %dma_start3A_384 = tpu.memref_slice %arg2[%dma_start3A_382, %dma_start3A_383] : memref<1000000x64xf32, #tpu.memory_space<hbm>> -> memref<1000000x64xf32, #tpu.memory_space<hbm>>
        tpu.enqueue_indirect_dma source(%dma_start3A_384 : memref<1000000x64xf32, #tpu.memory_space<hbm>>) target(%dma_start3A_381 : memref<100x64xf32, #tpu.memory_space<vmem>>) offsets(%arg13 : memref<100xi32, #tpu.memory_space<vmem>>) semaphore(%arg24 : memref<!tpu.dma_semaphore, #tpu.memory_space<semaphore_mem>>)
        %dma_start3A_385 = arith.constant 1 : i32
        %dma_start3A_386 = arith.constant 0 : i32
        %dma_start3A_387 = arith.constant 0 : i32
        %dma_start3A_388 = tpu.memref_slice %arg22[%dma_start3A_385, %dma_start3A_386, %dma_start3A_387] : memref<8x100x64xf32, #tpu.memory_space<vmem>> -> memref<1x100x64xf32, #tpu.memory_space<vmem>>
        %dma_start3A_389 = tpu.memref_squeeze %dma_start3A_388 : memref<1x100x64xf32, #tpu.memory_space<vmem>> -> memref<100x64xf32, #tpu.memory_space<vmem>>
        %dma_start3A_390 = arith.constant 0 : i32
        %dma_start3A_391 = arith.constant 0 : i32
        %dma_start3A_392 = tpu.memref_slice %arg2[%dma_start3A_390, %dma_start3A_391] : memref<1000000x64xf32, #tpu.memory_space<hbm>> -> memref<1000000x64xf32, #tpu.memory_space<hbm>>
        tpu.enqueue_indirect_dma source(%dma_start3A_392 : memref<1000000x64xf32, #tpu.memory_space<hbm>>) target(%dma_start3A_389 : memref<100x64xf32, #tpu.memory_space<vmem>>) offsets(%arg14 : memref<100xi32, #tpu.memory_space<vmem>>) semaphore(%arg24 : memref<!tpu.dma_semaphore, #tpu.memory_space<semaphore_mem>>)
        %dma_start3A_393 = arith.constant 2 : i32
        %dma_start3A_394 = arith.constant 0 : i32
        %dma_start3A_395 = arith.constant 0 : i32
        %dma_start3A_396 = tpu.memref_slice %arg22[%dma_start3A_393, %dma_start3A_394, %dma_start3A_395] : memref<8x100x64xf32, #tpu.memory_space<vmem>> -> memref<1x100x64xf32, #tpu.memory_space<vmem>>
        %dma_start3A_397 = tpu.memref_squeeze %dma_start3A_396 : memref<1x100x64xf32, #tpu.memory_space<vmem>> -> memref<100x64xf32, #tpu.memory_space<vmem>>
        %dma_start3A_398 = arith.constant 0 : i32
        %dma_start3A_399 = arith.constant 0 : i32
        %dma_start3A_400 = tpu.memref_slice %arg2[%dma_start3A_398, %dma_start3A_399] : memref<1000000x64xf32, #tpu.memory_space<hbm>> -> memref<1000000x64xf32, #tpu.memory_space<hbm>>
        tpu.enqueue_indirect_dma source(%dma_start3A_400 : memref<1000000x64xf32, #tpu.memory_space<hbm>>) target(%dma_start3A_397 : memref<100x64xf32, #tpu.memory_space<vmem>>) offsets(%arg15 : memref<100xi32, #tpu.memory_space<vmem>>) semaphore(%arg24 : memref<!tpu.dma_semaphore, #tpu.memory_space<semaphore_mem>>)
        %dma_start3A_401 = arith.constant 3 : i32
        %dma_start3A_402 = arith.constant 0 : i32
        %dma_start3A_403 = arith.constant 0 : i32
        %dma_start3A_404 = tpu.memref_slice %arg22[%dma_start3A_401, %dma_start3A_402, %dma_start3A_403] : memref<8x100x64xf32, #tpu.memory_space<vmem>> -> memref<1x100x64xf32, #tpu.memory_space<vmem>>
        %dma_start3A_405 = tpu.memref_squeeze %dma_start3A_404 : memref<1x100x64xf32, #tpu.memory_space<vmem>> -> memref<100x64xf32, #tpu.memory_space<vmem>>
        %dma_start3A_406 = arith.constant 0 : i32
        %dma_start3A_407 = arith.constant 0 : i32
        %dma_start3A_408 = tpu.memref_slice %arg2[%dma_start3A_406, %dma_start3A_407] : memref<1000000x64xf32, #tpu.memory_space<hbm>> -> memref<1000000x64xf32, #tpu.memory_space<hbm>>
        tpu.enqueue_indirect_dma source(%dma_start3A_408 : memref<1000000x64xf32, #tpu.memory_space<hbm>>) target(%dma_start3A_405 : memref<100x64xf32, #tpu.memory_space<vmem>>) offsets(%arg16 : memref<100xi32, #tpu.memory_space<vmem>>) semaphore(%arg24 : memref<!tpu.dma_semaphore, #tpu.memory_space<semaphore_mem>>)
        %dma_start3A_409 = arith.constant 4 : i32
        %dma_start3A_410 = arith.constant 0 : i32
        %dma_start3A_411 = arith.constant 0 : i32
        %dma_start3A_412 = tpu.memref_slice %arg22[%dma_start3A_409, %dma_start3A_410, %dma_start3A_411] : memref<8x100x64xf32, #tpu.memory_space<vmem>> -> memref<1x100x64xf32, #tpu.memory_space<vmem>>
        %dma_start3A_413 = tpu.memref_squeeze %dma_start3A_412 : memref<1x100x64xf32, #tpu.memory_space<vmem>> -> memref<100x64xf32, #tpu.memory_space<vmem>>
        %dma_start3A_414 = arith.constant 0 : i32
        %dma_start3A_415 = arith.constant 0 : i32
        %dma_start3A_416 = tpu.memref_slice %arg2[%dma_start3A_414, %dma_start3A_415] : memref<1000000x64xf32, #tpu.memory_space<hbm>> -> memref<1000000x64xf32, #tpu.memory_space<hbm>>
        tpu.enqueue_indirect_dma source(%dma_start3A_416 : memref<1000000x64xf32, #tpu.memory_space<hbm>>) target(%dma_start3A_413 : memref<100x64xf32, #tpu.memory_space<vmem>>) offsets(%arg17 : memref<100xi32, #tpu.memory_space<vmem>>) semaphore(%arg24 : memref<!tpu.dma_semaphore, #tpu.memory_space<semaphore_mem>>)
        %dma_start3A_417 = arith.constant 5 : i32
        %dma_start3A_418 = arith.constant 0 : i32
        %dma_start3A_419 = arith.constant 0 : i32
        %dma_start3A_420 = tpu.memref_slice %arg22[%dma_start3A_417, %dma_start3A_418, %dma_start3A_419] : memref<8x100x64xf32, #tpu.memory_space<vmem>> -> memref<1x100x64xf32, #tpu.memory_space<vmem>>
        %dma_start3A_421 = tpu.memref_squeeze %dma_start3A_420 : memref<1x100x64xf32, #tpu.memory_space<vmem>> -> memref<100x64xf32, #tpu.memory_space<vmem>>
        %dma_start3A_422 = arith.constant 0 : i32
        %dma_start3A_423 = arith.constant 0 : i32
        %dma_start3A_424 = tpu.memref_slice %arg2[%dma_start3A_422, %dma_start3A_423] : memref<1000000x64xf32, #tpu.memory_space<hbm>> -> memref<1000000x64xf32, #tpu.memory_space<hbm>>
        tpu.enqueue_indirect_dma source(%dma_start3A_424 : memref<1000000x64xf32, #tpu.memory_space<hbm>>) target(%dma_start3A_421 : memref<100x64xf32, #tpu.memory_space<vmem>>) offsets(%arg18 : memref<100xi32, #tpu.memory_space<vmem>>) semaphore(%arg24 : memref<!tpu.dma_semaphore, #tpu.memory_space<semaphore_mem>>)
        %dma_start3A_425 = arith.constant 6 : i32
        %dma_start3A_426 = arith.constant 0 : i32
        %dma_start3A_427 = arith.constant 0 : i32
        %dma_start3A_428 = tpu.memref_slice %arg22[%dma_start3A_425, %dma_start3A_426, %dma_start3A_427] : memref<8x100x64xf32, #tpu.memory_space<vmem>> -> memref<1x100x64xf32, #tpu.memory_space<vmem>>
        %dma_start3A_429 = tpu.memref_squeeze %dma_start3A_428 : memref<1x100x64xf32, #tpu.memory_space<vmem>> -> memref<100x64xf32, #tpu.memory_space<vmem>>
        %dma_start3A_430 = arith.constant 0 : i32
        %dma_start3A_431 = arith.constant 0 : i32
        %dma_start3A_432 = tpu.memref_slice %arg2[%dma_start3A_430, %dma_start3A_431] : memref<1000000x64xf32, #tpu.memory_space<hbm>> -> memref<1000000x64xf32, #tpu.memory_space<hbm>>
        tpu.enqueue_indirect_dma source(%dma_start3A_432 : memref<1000000x64xf32, #tpu.memory_space<hbm>>) target(%dma_start3A_429 : memref<100x64xf32, #tpu.memory_space<vmem>>) offsets(%arg19 : memref<100xi32, #tpu.memory_space<vmem>>) semaphore(%arg24 : memref<!tpu.dma_semaphore, #tpu.memory_space<semaphore_mem>>)
        %dma_start3A_433 = arith.constant 7 : i32
        %dma_start3A_434 = arith.constant 0 : i32
        %dma_start3A_435 = arith.constant 0 : i32
        %dma_start3A_436 = tpu.memref_slice %arg22[%dma_start3A_433, %dma_start3A_434, %dma_start3A_435] : memref<8x100x64xf32, #tpu.memory_space<vmem>> -> memref<1x100x64xf32, #tpu.memory_space<vmem>>
        %dma_start3A_437 = tpu.memref_squeeze %dma_start3A_436 : memref<1x100x64xf32, #tpu.memory_space<vmem>> -> memref<100x64xf32, #tpu.memory_space<vmem>>
        %dma_start3A_438 = arith.constant 0 : i32
        %dma_start3A_439 = arith.constant 0 : i32
        %dma_start3A_440 = tpu.memref_slice %arg2[%dma_start3A_438, %dma_start3A_439] : memref<1000000x64xf32, #tpu.memory_space<hbm>> -> memref<1000000x64xf32, #tpu.memory_space<hbm>>
        tpu.enqueue_indirect_dma source(%dma_start3A_440 : memref<1000000x64xf32, #tpu.memory_space<hbm>>) target(%dma_start3A_437 : memref<100x64xf32, #tpu.memory_space<vmem>>) offsets(%arg20 : memref<100xi32, #tpu.memory_space<vmem>>) semaphore(%arg24 : memref<!tpu.dma_semaphore, #tpu.memory_space<semaphore_mem>>)
      } else {
      }
      %dma_wait3A_194 = arith.constant 0 : i32
      %dma_wait3A_195 = arith.constant 0 : i32
      %dma_wait3A_196 = arith.constant 0 : i32
      %dma_wait3A_197 = tpu.memref_slice %arg21[%dma_wait3A_194, %dma_wait3A_195, %dma_wait3A_196] : memref<8x100x64xf32, #tpu.memory_space<vmem>> -> memref<1x100x64xf32, #tpu.memory_space<vmem>>
      %dma_wait3A_198 = tpu.memref_squeeze %dma_wait3A_197 : memref<1x100x64xf32, #tpu.memory_space<vmem>> -> memref<100x64xf32, #tpu.memory_space<vmem>>
      %dma_wait3A_199 = arith.constant 0 : i32
      %dma_wait3A_200 = arith.constant 0 : i32
      %dma_wait3A_201 = tpu.memref_slice %arg2[%dma_wait3A_199, %dma_wait3A_200] : memref<1000000x64xf32, #tpu.memory_space<hbm>> -> memref<1000000x64xf32, #tpu.memory_space<hbm>>
      tpu.wait_indirect_dma semaphore(%arg23 : memref<!tpu.dma_semaphore, #tpu.memory_space<semaphore_mem>>) src(%dma_wait3A_201 : memref<1000000x64xf32, #tpu.memory_space<hbm>>) dst(%dma_wait3A_198 : memref<100x64xf32, #tpu.memory_space<vmem>>)
      %dma_wait3A_202 = arith.constant 1 : i32
      %dma_wait3A_203 = arith.constant 0 : i32
      %dma_wait3A_204 = arith.constant 0 : i32
      %dma_wait3A_205 = tpu.memref_slice %arg21[%dma_wait3A_202, %dma_wait3A_203, %dma_wait3A_204] : memref<8x100x64xf32, #tpu.memory_space<vmem>> -> memref<1x100x64xf32, #tpu.memory_space<vmem>>
      %dma_wait3A_206 = tpu.memref_squeeze %dma_wait3A_205 : memref<1x100x64xf32, #tpu.memory_space<vmem>> -> memref<100x64xf32, #tpu.memory_space<vmem>>
      %dma_wait3A_207 = arith.constant 0 : i32
      %dma_wait3A_208 = arith.constant 0 : i32
      %dma_wait3A_209 = tpu.memref_slice %arg2[%dma_wait3A_207, %dma_wait3A_208] : memref<1000000x64xf32, #tpu.memory_space<hbm>> -> memref<1000000x64xf32, #tpu.memory_space<hbm>>
      tpu.wait_indirect_dma semaphore(%arg23 : memref<!tpu.dma_semaphore, #tpu.memory_space<semaphore_mem>>) src(%dma_wait3A_209 : memref<1000000x64xf32, #tpu.memory_space<hbm>>) dst(%dma_wait3A_206 : memref<100x64xf32, #tpu.memory_space<vmem>>)
      %dma_wait3A_210 = arith.constant 2 : i32
      %dma_wait3A_211 = arith.constant 0 : i32
      %dma_wait3A_212 = arith.constant 0 : i32
      %dma_wait3A_213 = tpu.memref_slice %arg21[%dma_wait3A_210, %dma_wait3A_211, %dma_wait3A_212] : memref<8x100x64xf32, #tpu.memory_space<vmem>> -> memref<1x100x64xf32, #tpu.memory_space<vmem>>
      %dma_wait3A_214 = tpu.memref_squeeze %dma_wait3A_213 : memref<1x100x64xf32, #tpu.memory_space<vmem>> -> memref<100x64xf32, #tpu.memory_space<vmem>>
      %dma_wait3A_215 = arith.constant 0 : i32
      %dma_wait3A_216 = arith.constant 0 : i32
      %dma_wait3A_217 = tpu.memref_slice %arg2[%dma_wait3A_215, %dma_wait3A_216] : memref<1000000x64xf32, #tpu.memory_space<hbm>> -> memref<1000000x64xf32, #tpu.memory_space<hbm>>
      tpu.wait_indirect_dma semaphore(%arg23 : memref<!tpu.dma_semaphore, #tpu.memory_space<semaphore_mem>>) src(%dma_wait3A_217 : memref<1000000x64xf32, #tpu.memory_space<hbm>>) dst(%dma_wait3A_214 : memref<100x64xf32, #tpu.memory_space<vmem>>)
      %dma_wait3A_218 = arith.constant 3 : i32
      %dma_wait3A_219 = arith.constant 0 : i32
      %dma_wait3A_220 = arith.constant 0 : i32
      %dma_wait3A_221 = tpu.memref_slice %arg21[%dma_wait3A_218, %dma_wait3A_219, %dma_wait3A_220] : memref<8x100x64xf32, #tpu.memory_space<vmem>> -> memref<1x100x64xf32, #tpu.memory_space<vmem>>
      %dma_wait3A_222 = tpu.memref_squeeze %dma_wait3A_221 : memref<1x100x64xf32, #tpu.memory_space<vmem>> -> memref<100x64xf32, #tpu.memory_space<vmem>>
      %dma_wait3A_223 = arith.constant 0 : i32
      %dma_wait3A_224 = arith.constant 0 : i32
      %dma_wait3A_225 = tpu.memref_slice %arg2[%dma_wait3A_223, %dma_wait3A_224] : memref<1000000x64xf32, #tpu.memory_space<hbm>> -> memref<1000000x64xf32, #tpu.memory_space<hbm>>
      tpu.wait_indirect_dma semaphore(%arg23 : memref<!tpu.dma_semaphore, #tpu.memory_space<semaphore_mem>>) src(%dma_wait3A_225 : memref<1000000x64xf32, #tpu.memory_space<hbm>>) dst(%dma_wait3A_222 : memref<100x64xf32, #tpu.memory_space<vmem>>)
      %dma_wait3A_226 = arith.constant 4 : i32
      %dma_wait3A_227 = arith.constant 0 : i32
      %dma_wait3A_228 = arith.constant 0 : i32
      %dma_wait3A_229 = tpu.memref_slice %arg21[%dma_wait3A_226, %dma_wait3A_227, %dma_wait3A_228] : memref<8x100x64xf32, #tpu.memory_space<vmem>> -> memref<1x100x64xf32, #tpu.memory_space<vmem>>
      %dma_wait3A_230 = tpu.memref_squeeze %dma_wait3A_229 : memref<1x100x64xf32, #tpu.memory_space<vmem>> -> memref<100x64xf32, #tpu.memory_space<vmem>>
      %dma_wait3A_231 = arith.constant 0 : i32
      %dma_wait3A_232 = arith.constant 0 : i32
      %dma_wait3A_233 = tpu.memref_slice %arg2[%dma_wait3A_231, %dma_wait3A_232] : memref<1000000x64xf32, #tpu.memory_space<hbm>> -> memref<1000000x64xf32, #tpu.memory_space<hbm>>
      tpu.wait_indirect_dma semaphore(%arg23 : memref<!tpu.dma_semaphore, #tpu.memory_space<semaphore_mem>>) src(%dma_wait3A_233 : memref<1000000x64xf32, #tpu.memory_space<hbm>>) dst(%dma_wait3A_230 : memref<100x64xf32, #tpu.memory_space<vmem>>)
      %dma_wait3A_234 = arith.constant 5 : i32
      %dma_wait3A_235 = arith.constant 0 : i32
      %dma_wait3A_236 = arith.constant 0 : i32
      %dma_wait3A_237 = tpu.memref_slice %arg21[%dma_wait3A_234, %dma_wait3A_235, %dma_wait3A_236] : memref<8x100x64xf32, #tpu.memory_space<vmem>> -> memref<1x100x64xf32, #tpu.memory_space<vmem>>
      %dma_wait3A_238 = tpu.memref_squeeze %dma_wait3A_237 : memref<1x100x64xf32, #tpu.memory_space<vmem>> -> memref<100x64xf32, #tpu.memory_space<vmem>>
      %dma_wait3A_239 = arith.constant 0 : i32
      %dma_wait3A_240 = arith.constant 0 : i32
      %dma_wait3A_241 = tpu.memref_slice %arg2[%dma_wait3A_239, %dma_wait3A_240] : memref<1000000x64xf32, #tpu.memory_space<hbm>> -> memref<1000000x64xf32, #tpu.memory_space<hbm>>
      tpu.wait_indirect_dma semaphore(%arg23 : memref<!tpu.dma_semaphore, #tpu.memory_space<semaphore_mem>>) src(%dma_wait3A_241 : memref<1000000x64xf32, #tpu.memory_space<hbm>>) dst(%dma_wait3A_238 : memref<100x64xf32, #tpu.memory_space<vmem>>)
      %dma_wait3A_242 = arith.constant 6 : i32
      %dma_wait3A_243 = arith.constant 0 : i32
      %dma_wait3A_244 = arith.constant 0 : i32
      %dma_wait3A_245 = tpu.memref_slice %arg21[%dma_wait3A_242, %dma_wait3A_243, %dma_wait3A_244] : memref<8x100x64xf32, #tpu.memory_space<vmem>> -> memref<1x100x64xf32, #tpu.memory_space<vmem>>
      %dma_wait3A_246 = tpu.memref_squeeze %dma_wait3A_245 : memref<1x100x64xf32, #tpu.memory_space<vmem>> -> memref<100x64xf32, #tpu.memory_space<vmem>>
      %dma_wait3A_247 = arith.constant 0 : i32
      %dma_wait3A_248 = arith.constant 0 : i32
      %dma_wait3A_249 = tpu.memref_slice %arg2[%dma_wait3A_247, %dma_wait3A_248] : memref<1000000x64xf32, #tpu.memory_space<hbm>> -> memref<1000000x64xf32, #tpu.memory_space<hbm>>
      tpu.wait_indirect_dma semaphore(%arg23 : memref<!tpu.dma_semaphore, #tpu.memory_space<semaphore_mem>>) src(%dma_wait3A_249 : memref<1000000x64xf32, #tpu.memory_space<hbm>>) dst(%dma_wait3A_246 : memref<100x64xf32, #tpu.memory_space<vmem>>)
      %dma_wait3A_250 = arith.constant 7 : i32
      %dma_wait3A_251 = arith.constant 0 : i32
      %dma_wait3A_252 = arith.constant 0 : i32
      %dma_wait3A_253 = tpu.memref_slice %arg21[%dma_wait3A_250, %dma_wait3A_251, %dma_wait3A_252] : memref<8x100x64xf32, #tpu.memory_space<vmem>> -> memref<1x100x64xf32, #tpu.memory_space<vmem>>
      %dma_wait3A_254 = tpu.memref_squeeze %dma_wait3A_253 : memref<1x100x64xf32, #tpu.memory_space<vmem>> -> memref<100x64xf32, #tpu.memory_space<vmem>>
      %dma_wait3A_255 = arith.constant 0 : i32
      %dma_wait3A_256 = arith.constant 0 : i32
      %dma_wait3A_257 = tpu.memref_slice %arg2[%dma_wait3A_255, %dma_wait3A_256] : memref<1000000x64xf32, #tpu.memory_space<hbm>> -> memref<1000000x64xf32, #tpu.memory_space<hbm>>
      tpu.wait_indirect_dma semaphore(%arg23 : memref<!tpu.dma_semaphore, #tpu.memory_space<semaphore_mem>>) src(%dma_wait3A_257 : memref<1000000x64xf32, #tpu.memory_space<hbm>>) dst(%dma_wait3A_254 : memref<100x64xf32, #tpu.memory_space<vmem>>)
      %mul3A_258 = arith.constant 8 : i32
      %mul3A_259 = arith.muli %add3A_178, %mul3A_258 : i32
      %add3A_260 = arith.addi %mul3A_2, %mul3A_259 : i32
      %dma_start3A_261 = arith.constant 0 : i32
      %dma_start3A_262 = arith.constant 0 : i32
      %dma_start3A_263 = tpu.memref_slice %arg4[%add3A_260, %dma_start3A_261, %dma_start3A_262] : memref<16384x100x64xf32, #tpu.memory_space<hbm>> -> memref<8x100x64xf32, #tpu.memory_space<hbm>>
      %dma_start3A_264 = arith.constant 0 : i32
      %dma_start3A_265 = arith.constant 0 : i32
      %dma_start3A_266 = tpu.memref_slice %arg4[%add3A_260, %dma_start3A_264, %dma_start3A_265] : memref<16384x100x64xf32, #tpu.memory_space<hbm>> -> memref<8x100x64xf32, #tpu.memory_space<hbm>>
      tpu.enqueue_dma source(%arg21 : memref<8x100x64xf32, #tpu.memory_space<vmem>>) target(%dma_start3A_266 : memref<8x100x64xf32, #tpu.memory_space<hbm>>) target_semaphore(%arg27 : memref<!tpu.dma_semaphore, #tpu.memory_space<semaphore_mem>>)
      %add3A_267 = arith.constant 2 : i32
      %add3A_268 = arith.addi %add3A_178, %add3A_267 : i32
      %lt3A_269 = arith.constant 64 : i32
      %lt3A_270 = arith.cmpi slt, %add3A_268, %lt3A_269 : i32
      %convert_element_type3A_271 = arith.extui %lt3A_270 : i1 to i32
      %cond3A_272 = arith.constant 0 : i32
      %cond3A_273 = arith.cmpi ne, %convert_element_type3A_271, %cond3A_272 : i32
      scf.if %cond3A_273 {
        %add3A_377 = arith.constant 2 : i32
        %add3A_378 = arith.addi %add3A_178, %add3A_377 : i32
        %mul3A_379 = arith.constant 8 : i32
        %mul3A_380 = arith.muli %add3A_378, %mul3A_379 : i32
        %add3A_381 = arith.addi %mul3A_2, %mul3A_380 : i32
        %add3A_382 = arith.constant 0 : i32
        %add3A_383 = arith.addi %add3A_381, %add3A_382 : i32
        %dma_start3A_384 = arith.constant 0 : i32
        %dma_start3A_385 = tpu.memref_slice %arg3[%add3A_383, %dma_start3A_384] : memref<16384x100xi32, #tpu.memory_space<hbm>> -> memref<1x100xi32, #tpu.memory_space<hbm>>
        %dma_start3A_386 = tpu.memref_squeeze %dma_start3A_385 : memref<1x100xi32, #tpu.memory_space<hbm>> -> memref<100xi32, #tpu.memory_space<hbm>>
        %dma_start3A_387 = arith.constant 0 : i32
        %dma_start3A_388 = tpu.memref_slice %arg3[%add3A_383, %dma_start3A_387] : memref<16384x100xi32, #tpu.memory_space<hbm>> -> memref<1x100xi32, #tpu.memory_space<hbm>>
        %dma_start3A_389 = tpu.memref_squeeze %dma_start3A_388 : memref<1x100xi32, #tpu.memory_space<hbm>> -> memref<100xi32, #tpu.memory_space<hbm>>
        tpu.enqueue_dma source(%dma_start3A_389 : memref<100xi32, #tpu.memory_space<hbm>>) target(%arg5 : memref<100xi32, #tpu.memory_space<vmem>>) target_semaphore(%arg25 : memref<!tpu.dma_semaphore, #tpu.memory_space<semaphore_mem>>)
        %mul3A_390 = arith.constant 8 : i32
        %mul3A_391 = arith.muli %add3A_378, %mul3A_390 : i32
        %add3A_392 = arith.addi %mul3A_2, %mul3A_391 : i32
        %add3A_393 = arith.constant 1 : i32
        %add3A_394 = arith.addi %add3A_392, %add3A_393 : i32
        %dma_start3A_395 = arith.constant 0 : i32
        %dma_start3A_396 = tpu.memref_slice %arg3[%add3A_394, %dma_start3A_395] : memref<16384x100xi32, #tpu.memory_space<hbm>> -> memref<1x100xi32, #tpu.memory_space<hbm>>
        %dma_start3A_397 = tpu.memref_squeeze %dma_start3A_396 : memref<1x100xi32, #tpu.memory_space<hbm>> -> memref<100xi32, #tpu.memory_space<hbm>>
        %dma_start3A_398 = arith.constant 0 : i32
        %dma_start3A_399 = tpu.memref_slice %arg3[%add3A_394, %dma_start3A_398] : memref<16384x100xi32, #tpu.memory_space<hbm>> -> memref<1x100xi32, #tpu.memory_space<hbm>>
        %dma_start3A_400 = tpu.memref_squeeze %dma_start3A_399 : memref<1x100xi32, #tpu.memory_space<hbm>> -> memref<100xi32, #tpu.memory_space<hbm>>
        tpu.enqueue_dma source(%dma_start3A_400 : memref<100xi32, #tpu.memory_space<hbm>>) target(%arg6 : memref<100xi32, #tpu.memory_space<vmem>>) target_semaphore(%arg25 : memref<!tpu.dma_semaphore, #tpu.memory_space<semaphore_mem>>)
        %mul3A_401 = arith.constant 8 : i32
        %mul3A_402 = arith.muli %add3A_378, %mul3A_401 : i32
        %add3A_403 = arith.addi %mul3A_2, %mul3A_402 : i32
        %add3A_404 = arith.constant 2 : i32
        %add3A_405 = arith.addi %add3A_403, %add3A_404 : i32
        %dma_start3A_406 = arith.constant 0 : i32
        %dma_start3A_407 = tpu.memref_slice %arg3[%add3A_405, %dma_start3A_406] : memref<16384x100xi32, #tpu.memory_space<hbm>> -> memref<1x100xi32, #tpu.memory_space<hbm>>
        %dma_start3A_408 = tpu.memref_squeeze %dma_start3A_407 : memref<1x100xi32, #tpu.memory_space<hbm>> -> memref<100xi32, #tpu.memory_space<hbm>>
        %dma_start3A_409 = arith.constant 0 : i32
        %dma_start3A_410 = tpu.memref_slice %arg3[%add3A_405, %dma_start3A_409] : memref<16384x100xi32, #tpu.memory_space<hbm>> -> memref<1x100xi32, #tpu.memory_space<hbm>>
        %dma_start3A_411 = tpu.memref_squeeze %dma_start3A_410 : memref<1x100xi32, #tpu.memory_space<hbm>> -> memref<100xi32, #tpu.memory_space<hbm>>
        tpu.enqueue_dma source(%dma_start3A_411 : memref<100xi32, #tpu.memory_space<hbm>>) target(%arg7 : memref<100xi32, #tpu.memory_space<vmem>>) target_semaphore(%arg25 : memref<!tpu.dma_semaphore, #tpu.memory_space<semaphore_mem>>)
        %mul3A_412 = arith.constant 8 : i32
        %mul3A_413 = arith.muli %add3A_378, %mul3A_412 : i32
        %add3A_414 = arith.addi %mul3A_2, %mul3A_413 : i32
        %add3A_415 = arith.constant 3 : i32
        %add3A_416 = arith.addi %add3A_414, %add3A_415 : i32
        %dma_start3A_417 = arith.constant 0 : i32
        %dma_start3A_418 = tpu.memref_slice %arg3[%add3A_416, %dma_start3A_417] : memref<16384x100xi32, #tpu.memory_space<hbm>> -> memref<1x100xi32, #tpu.memory_space<hbm>>
        %dma_start3A_419 = tpu.memref_squeeze %dma_start3A_418 : memref<1x100xi32, #tpu.memory_space<hbm>> -> memref<100xi32, #tpu.memory_space<hbm>>
        %dma_start3A_420 = arith.constant 0 : i32
        %dma_start3A_421 = tpu.memref_slice %arg3[%add3A_416, %dma_start3A_420] : memref<16384x100xi32, #tpu.memory_space<hbm>> -> memref<1x100xi32, #tpu.memory_space<hbm>>
        %dma_start3A_422 = tpu.memref_squeeze %dma_start3A_421 : memref<1x100xi32, #tpu.memory_space<hbm>> -> memref<100xi32, #tpu.memory_space<hbm>>
        tpu.enqueue_dma source(%dma_start3A_422 : memref<100xi32, #tpu.memory_space<hbm>>) target(%arg8 : memref<100xi32, #tpu.memory_space<vmem>>) target_semaphore(%arg25 : memref<!tpu.dma_semaphore, #tpu.memory_space<semaphore_mem>>)
        %mul3A_423 = arith.constant 8 : i32
        %mul3A_424 = arith.muli %add3A_378, %mul3A_423 : i32
        %add3A_425 = arith.addi %mul3A_2, %mul3A_424 : i32
        %add3A_426 = arith.constant 4 : i32
        %add3A_427 = arith.addi %add3A_425, %add3A_426 : i32
        %dma_start3A_428 = arith.constant 0 : i32
        %dma_start3A_429 = tpu.memref_slice %arg3[%add3A_427, %dma_start3A_428] : memref<16384x100xi32, #tpu.memory_space<hbm>> -> memref<1x100xi32, #tpu.memory_space<hbm>>
        %dma_start3A_430 = tpu.memref_squeeze %dma_start3A_429 : memref<1x100xi32, #tpu.memory_space<hbm>> -> memref<100xi32, #tpu.memory_space<hbm>>
        %dma_start3A_431 = arith.constant 0 : i32
        %dma_start3A_432 = tpu.memref_slice %arg3[%add3A_427, %dma_start3A_431] : memref<16384x100xi32, #tpu.memory_space<hbm>> -> memref<1x100xi32, #tpu.memory_space<hbm>>
        %dma_start3A_433 = tpu.memref_squeeze %dma_start3A_432 : memref<1x100xi32, #tpu.memory_space<hbm>> -> memref<100xi32, #tpu.memory_space<hbm>>
        tpu.enqueue_dma source(%dma_start3A_433 : memref<100xi32, #tpu.memory_space<hbm>>) target(%arg9 : memref<100xi32, #tpu.memory_space<vmem>>) target_semaphore(%arg25 : memref<!tpu.dma_semaphore, #tpu.memory_space<semaphore_mem>>)
        %mul3A_434 = arith.constant 8 : i32
        %mul3A_435 = arith.muli %add3A_378, %mul3A_434 : i32
        %add3A_436 = arith.addi %mul3A_2, %mul3A_435 : i32
        %add3A_437 = arith.constant 5 : i32
        %add3A_438 = arith.addi %add3A_436, %add3A_437 : i32
        %dma_start3A_439 = arith.constant 0 : i32
        %dma_start3A_440 = tpu.memref_slice %arg3[%add3A_438, %dma_start3A_439] : memref<16384x100xi32, #tpu.memory_space<hbm>> -> memref<1x100xi32, #tpu.memory_space<hbm>>
        %dma_start3A_441 = tpu.memref_squeeze %dma_start3A_440 : memref<1x100xi32, #tpu.memory_space<hbm>> -> memref<100xi32, #tpu.memory_space<hbm>>
        %dma_start3A_442 = arith.constant 0 : i32
        %dma_start3A_443 = tpu.memref_slice %arg3[%add3A_438, %dma_start3A_442] : memref<16384x100xi32, #tpu.memory_space<hbm>> -> memref<1x100xi32, #tpu.memory_space<hbm>>
        %dma_start3A_444 = tpu.memref_squeeze %dma_start3A_443 : memref<1x100xi32, #tpu.memory_space<hbm>> -> memref<100xi32, #tpu.memory_space<hbm>>
        tpu.enqueue_dma source(%dma_start3A_444 : memref<100xi32, #tpu.memory_space<hbm>>) target(%arg10 : memref<100xi32, #tpu.memory_space<vmem>>) target_semaphore(%arg25 : memref<!tpu.dma_semaphore, #tpu.memory_space<semaphore_mem>>)
        %mul3A_445 = arith.constant 8 : i32
        %mul3A_446 = arith.muli %add3A_378, %mul3A_445 : i32
        %add3A_447 = arith.addi %mul3A_2, %mul3A_446 : i32
        %add3A_448 = arith.constant 6 : i32
        %add3A_449 = arith.addi %add3A_447, %add3A_448 : i32
        %dma_start3A_450 = arith.constant 0 : i32
        %dma_start3A_451 = tpu.memref_slice %arg3[%add3A_449, %dma_start3A_450] : memref<16384x100xi32, #tpu.memory_space<hbm>> -> memref<1x100xi32, #tpu.memory_space<hbm>>
        %dma_start3A_452 = tpu.memref_squeeze %dma_start3A_451 : memref<1x100xi32, #tpu.memory_space<hbm>> -> memref<100xi32, #tpu.memory_space<hbm>>
        %dma_start3A_453 = arith.constant 0 : i32
        %dma_start3A_454 = tpu.memref_slice %arg3[%add3A_449, %dma_start3A_453] : memref<16384x100xi32, #tpu.memory_space<hbm>> -> memref<1x100xi32, #tpu.memory_space<hbm>>
        %dma_start3A_455 = tpu.memref_squeeze %dma_start3A_454 : memref<1x100xi32, #tpu.memory_space<hbm>> -> memref<100xi32, #tpu.memory_space<hbm>>
        tpu.enqueue_dma source(%dma_start3A_455 : memref<100xi32, #tpu.memory_space<hbm>>) target(%arg11 : memref<100xi32, #tpu.memory_space<vmem>>) target_semaphore(%arg25 : memref<!tpu.dma_semaphore, #tpu.memory_space<semaphore_mem>>)
        %mul3A_456 = arith.constant 8 : i32
        %mul3A_457 = arith.muli %add3A_378, %mul3A_456 : i32
        %add3A_458 = arith.addi %mul3A_2, %mul3A_457 : i32
        %add3A_459 = arith.constant 7 : i32
        %add3A_460 = arith.addi %add3A_458, %add3A_459 : i32
        %dma_start3A_461 = arith.constant 0 : i32
        %dma_start3A_462 = tpu.memref_slice %arg3[%add3A_460, %dma_start3A_461] : memref<16384x100xi32, #tpu.memory_space<hbm>> -> memref<1x100xi32, #tpu.memory_space<hbm>>
        %dma_start3A_463 = tpu.memref_squeeze %dma_start3A_462 : memref<1x100xi32, #tpu.memory_space<hbm>> -> memref<100xi32, #tpu.memory_space<hbm>>
        %dma_start3A_464 = arith.constant 0 : i32
        %dma_start3A_465 = tpu.memref_slice %arg3[%add3A_460, %dma_start3A_464] : memref<16384x100xi32, #tpu.memory_space<hbm>> -> memref<1x100xi32, #tpu.memory_space<hbm>>
        %dma_start3A_466 = tpu.memref_squeeze %dma_start3A_465 : memref<1x100xi32, #tpu.memory_space<hbm>> -> memref<100xi32, #tpu.memory_space<hbm>>
        tpu.enqueue_dma source(%dma_start3A_466 : memref<100xi32, #tpu.memory_space<hbm>>) target(%arg12 : memref<100xi32, #tpu.memory_space<vmem>>) target_semaphore(%arg25 : memref<!tpu.dma_semaphore, #tpu.memory_space<semaphore_mem>>)
      } else {
      }
      %mul3A_274 = arith.constant 2 : i32
      %mul3A_275 = arith.muli %mul3A_274, %scan3A_174 : i32
      %add3A_276 = arith.constant 1 : i32
      %add3A_277 = arith.addi %mul3A_275, %add3A_276 : i32
      %add3A_278 = arith.constant 1 : i32
      %add3A_279 = arith.addi %add3A_277, %add3A_278 : i32
      %lt3A_280 = arith.constant 64 : i32
      %lt3A_281 = arith.cmpi slt, %add3A_279, %lt3A_280 : i32
      %convert_element_type3A_282 = arith.extui %lt3A_281 : i1 to i32
      %cond3A_283 = arith.constant 0 : i32
      %cond3A_284 = arith.cmpi ne, %convert_element_type3A_282, %cond3A_283 : i32
      scf.if %cond3A_284 {
        %add3A_377 = arith.constant 1 : i32
        %add3A_378 = arith.addi %add3A_277, %add3A_377 : i32
        %mul3A_379 = arith.constant 8 : i32
        %mul3A_380 = arith.muli %add3A_378, %mul3A_379 : i32
        %add3A_381 = arith.addi %mul3A_2, %mul3A_380 : i32
        %add3A_382 = arith.constant 0 : i32
        %add3A_383 = arith.addi %add3A_381, %add3A_382 : i32
        %dma_wait3A_384 = arith.constant 0 : i32
        %dma_wait3A_385 = tpu.memref_slice %arg3[%add3A_383, %dma_wait3A_384] : memref<16384x100xi32, #tpu.memory_space<hbm>> -> memref<1x100xi32, #tpu.memory_space<hbm>>
        %dma_wait3A_386 = tpu.memref_squeeze %dma_wait3A_385 : memref<1x100xi32, #tpu.memory_space<hbm>> -> memref<100xi32, #tpu.memory_space<hbm>>
        %dma_wait3A_387 = arith.constant 0 : i32
        %dma_wait3A_388 = tpu.memref_slice %arg3[%add3A_383, %dma_wait3A_387] : memref<16384x100xi32, #tpu.memory_space<hbm>> -> memref<1x100xi32, #tpu.memory_space<hbm>>
        %dma_wait3A_389 = tpu.memref_squeeze %dma_wait3A_388 : memref<1x100xi32, #tpu.memory_space<hbm>> -> memref<100xi32, #tpu.memory_space<hbm>>
        tpu.wait_dma2 semaphore(%arg25 : memref<!tpu.dma_semaphore, #tpu.memory_space<semaphore_mem>>) src(%dma_wait3A_389 : memref<100xi32, #tpu.memory_space<hbm>>) dst(%arg5 : memref<100xi32, #tpu.memory_space<vmem>>)
        %mul3A_390 = arith.constant 8 : i32
        %mul3A_391 = arith.muli %add3A_378, %mul3A_390 : i32
        %add3A_392 = arith.addi %mul3A_2, %mul3A_391 : i32
        %add3A_393 = arith.constant 1 : i32
        %add3A_394 = arith.addi %add3A_392, %add3A_393 : i32
        %dma_wait3A_395 = arith.constant 0 : i32
        %dma_wait3A_396 = tpu.memref_slice %arg3[%add3A_394, %dma_wait3A_395] : memref<16384x100xi32, #tpu.memory_space<hbm>> -> memref<1x100xi32, #tpu.memory_space<hbm>>
        %dma_wait3A_397 = tpu.memref_squeeze %dma_wait3A_396 : memref<1x100xi32, #tpu.memory_space<hbm>> -> memref<100xi32, #tpu.memory_space<hbm>>
        %dma_wait3A_398 = arith.constant 0 : i32
        %dma_wait3A_399 = tpu.memref_slice %arg3[%add3A_394, %dma_wait3A_398] : memref<16384x100xi32, #tpu.memory_space<hbm>> -> memref<1x100xi32, #tpu.memory_space<hbm>>
        %dma_wait3A_400 = tpu.memref_squeeze %dma_wait3A_399 : memref<1x100xi32, #tpu.memory_space<hbm>> -> memref<100xi32, #tpu.memory_space<hbm>>
        tpu.wait_dma2 semaphore(%arg25 : memref<!tpu.dma_semaphore, #tpu.memory_space<semaphore_mem>>) src(%dma_wait3A_400 : memref<100xi32, #tpu.memory_space<hbm>>) dst(%arg6 : memref<100xi32, #tpu.memory_space<vmem>>)
        %mul3A_401 = arith.constant 8 : i32
        %mul3A_402 = arith.muli %add3A_378, %mul3A_401 : i32
        %add3A_403 = arith.addi %mul3A_2, %mul3A_402 : i32
        %add3A_404 = arith.constant 2 : i32
        %add3A_405 = arith.addi %add3A_403, %add3A_404 : i32
        %dma_wait3A_406 = arith.constant 0 : i32
        %dma_wait3A_407 = tpu.memref_slice %arg3[%add3A_405, %dma_wait3A_406] : memref<16384x100xi32, #tpu.memory_space<hbm>> -> memref<1x100xi32, #tpu.memory_space<hbm>>
        %dma_wait3A_408 = tpu.memref_squeeze %dma_wait3A_407 : memref<1x100xi32, #tpu.memory_space<hbm>> -> memref<100xi32, #tpu.memory_space<hbm>>
        %dma_wait3A_409 = arith.constant 0 : i32
        %dma_wait3A_410 = tpu.memref_slice %arg3[%add3A_405, %dma_wait3A_409] : memref<16384x100xi32, #tpu.memory_space<hbm>> -> memref<1x100xi32, #tpu.memory_space<hbm>>
        %dma_wait3A_411 = tpu.memref_squeeze %dma_wait3A_410 : memref<1x100xi32, #tpu.memory_space<hbm>> -> memref<100xi32, #tpu.memory_space<hbm>>
        tpu.wait_dma2 semaphore(%arg25 : memref<!tpu.dma_semaphore, #tpu.memory_space<semaphore_mem>>) src(%dma_wait3A_411 : memref<100xi32, #tpu.memory_space<hbm>>) dst(%arg7 : memref<100xi32, #tpu.memory_space<vmem>>)
        %mul3A_412 = arith.constant 8 : i32
        %mul3A_413 = arith.muli %add3A_378, %mul3A_412 : i32
        %add3A_414 = arith.addi %mul3A_2, %mul3A_413 : i32
        %add3A_415 = arith.constant 3 : i32
        %add3A_416 = arith.addi %add3A_414, %add3A_415 : i32
        %dma_wait3A_417 = arith.constant 0 : i32
        %dma_wait3A_418 = tpu.memref_slice %arg3[%add3A_416, %dma_wait3A_417] : memref<16384x100xi32, #tpu.memory_space<hbm>> -> memref<1x100xi32, #tpu.memory_space<hbm>>
        %dma_wait3A_419 = tpu.memref_squeeze %dma_wait3A_418 : memref<1x100xi32, #tpu.memory_space<hbm>> -> memref<100xi32, #tpu.memory_space<hbm>>
        %dma_wait3A_420 = arith.constant 0 : i32
        %dma_wait3A_421 = tpu.memref_slice %arg3[%add3A_416, %dma_wait3A_420] : memref<16384x100xi32, #tpu.memory_space<hbm>> -> memref<1x100xi32, #tpu.memory_space<hbm>>
        %dma_wait3A_422 = tpu.memref_squeeze %dma_wait3A_421 : memref<1x100xi32, #tpu.memory_space<hbm>> -> memref<100xi32, #tpu.memory_space<hbm>>
        tpu.wait_dma2 semaphore(%arg25 : memref<!tpu.dma_semaphore, #tpu.memory_space<semaphore_mem>>) src(%dma_wait3A_422 : memref<100xi32, #tpu.memory_space<hbm>>) dst(%arg8 : memref<100xi32, #tpu.memory_space<vmem>>)
        %mul3A_423 = arith.constant 8 : i32
        %mul3A_424 = arith.muli %add3A_378, %mul3A_423 : i32
        %add3A_425 = arith.addi %mul3A_2, %mul3A_424 : i32
        %add3A_426 = arith.constant 4 : i32
        %add3A_427 = arith.addi %add3A_425, %add3A_426 : i32
        %dma_wait3A_428 = arith.constant 0 : i32
        %dma_wait3A_429 = tpu.memref_slice %arg3[%add3A_427, %dma_wait3A_428] : memref<16384x100xi32, #tpu.memory_space<hbm>> -> memref<1x100xi32, #tpu.memory_space<hbm>>
        %dma_wait3A_430 = tpu.memref_squeeze %dma_wait3A_429 : memref<1x100xi32, #tpu.memory_space<hbm>> -> memref<100xi32, #tpu.memory_space<hbm>>
        %dma_wait3A_431 = arith.constant 0 : i32
        %dma_wait3A_432 = tpu.memref_slice %arg3[%add3A_427, %dma_wait3A_431] : memref<16384x100xi32, #tpu.memory_space<hbm>> -> memref<1x100xi32, #tpu.memory_space<hbm>>
        %dma_wait3A_433 = tpu.memref_squeeze %dma_wait3A_432 : memref<1x100xi32, #tpu.memory_space<hbm>> -> memref<100xi32, #tpu.memory_space<hbm>>
        tpu.wait_dma2 semaphore(%arg25 : memref<!tpu.dma_semaphore, #tpu.memory_space<semaphore_mem>>) src(%dma_wait3A_433 : memref<100xi32, #tpu.memory_space<hbm>>) dst(%arg9 : memref<100xi32, #tpu.memory_space<vmem>>)
        %mul3A_434 = arith.constant 8 : i32
        %mul3A_435 = arith.muli %add3A_378, %mul3A_434 : i32
        %add3A_436 = arith.addi %mul3A_2, %mul3A_435 : i32
        %add3A_437 = arith.constant 5 : i32
        %add3A_438 = arith.addi %add3A_436, %add3A_437 : i32
        %dma_wait3A_439 = arith.constant 0 : i32
        %dma_wait3A_440 = tpu.memref_slice %arg3[%add3A_438, %dma_wait3A_439] : memref<16384x100xi32, #tpu.memory_space<hbm>> -> memref<1x100xi32, #tpu.memory_space<hbm>>
        %dma_wait3A_441 = tpu.memref_squeeze %dma_wait3A_440 : memref<1x100xi32, #tpu.memory_space<hbm>> -> memref<100xi32, #tpu.memory_space<hbm>>
        %dma_wait3A_442 = arith.constant 0 : i32
        %dma_wait3A_443 = tpu.memref_slice %arg3[%add3A_438, %dma_wait3A_442] : memref<16384x100xi32, #tpu.memory_space<hbm>> -> memref<1x100xi32, #tpu.memory_space<hbm>>
        %dma_wait3A_444 = tpu.memref_squeeze %dma_wait3A_443 : memref<1x100xi32, #tpu.memory_space<hbm>> -> memref<100xi32, #tpu.memory_space<hbm>>
        tpu.wait_dma2 semaphore(%arg25 : memref<!tpu.dma_semaphore, #tpu.memory_space<semaphore_mem>>) src(%dma_wait3A_444 : memref<100xi32, #tpu.memory_space<hbm>>) dst(%arg10 : memref<100xi32, #tpu.memory_space<vmem>>)
        %mul3A_445 = arith.constant 8 : i32
        %mul3A_446 = arith.muli %add3A_378, %mul3A_445 : i32
        %add3A_447 = arith.addi %mul3A_2, %mul3A_446 : i32
        %add3A_448 = arith.constant 6 : i32
        %add3A_449 = arith.addi %add3A_447, %add3A_448 : i32
        %dma_wait3A_450 = arith.constant 0 : i32
        %dma_wait3A_451 = tpu.memref_slice %arg3[%add3A_449, %dma_wait3A_450] : memref<16384x100xi32, #tpu.memory_space<hbm>> -> memref<1x100xi32, #tpu.memory_space<hbm>>
        %dma_wait3A_452 = tpu.memref_squeeze %dma_wait3A_451 : memref<1x100xi32, #tpu.memory_space<hbm>> -> memref<100xi32, #tpu.memory_space<hbm>>
        %dma_wait3A_453 = arith.constant 0 : i32
        %dma_wait3A_454 = tpu.memref_slice %arg3[%add3A_449, %dma_wait3A_453] : memref<16384x100xi32, #tpu.memory_space<hbm>> -> memref<1x100xi32, #tpu.memory_space<hbm>>
        %dma_wait3A_455 = tpu.memref_squeeze %dma_wait3A_454 : memref<1x100xi32, #tpu.memory_space<hbm>> -> memref<100xi32, #tpu.memory_space<hbm>>
        tpu.wait_dma2 semaphore(%arg25 : memref<!tpu.dma_semaphore, #tpu.memory_space<semaphore_mem>>) src(%dma_wait3A_455 : memref<100xi32, #tpu.memory_space<hbm>>) dst(%arg11 : memref<100xi32, #tpu.memory_space<vmem>>)
        %mul3A_456 = arith.constant 8 : i32
        %mul3A_457 = arith.muli %add3A_378, %mul3A_456 : i32
        %add3A_458 = arith.addi %mul3A_2, %mul3A_457 : i32
        %add3A_459 = arith.constant 7 : i32
        %add3A_460 = arith.addi %add3A_458, %add3A_459 : i32
        %dma_wait3A_461 = arith.constant 0 : i32
        %dma_wait3A_462 = tpu.memref_slice %arg3[%add3A_460, %dma_wait3A_461] : memref<16384x100xi32, #tpu.memory_space<hbm>> -> memref<1x100xi32, #tpu.memory_space<hbm>>
        %dma_wait3A_463 = tpu.memref_squeeze %dma_wait3A_462 : memref<1x100xi32, #tpu.memory_space<hbm>> -> memref<100xi32, #tpu.memory_space<hbm>>
        %dma_wait3A_464 = arith.constant 0 : i32
        %dma_wait3A_465 = tpu.memref_slice %arg3[%add3A_460, %dma_wait3A_464] : memref<16384x100xi32, #tpu.memory_space<hbm>> -> memref<1x100xi32, #tpu.memory_space<hbm>>
        %dma_wait3A_466 = tpu.memref_squeeze %dma_wait3A_465 : memref<1x100xi32, #tpu.memory_space<hbm>> -> memref<100xi32, #tpu.memory_space<hbm>>
        tpu.wait_dma2 semaphore(%arg25 : memref<!tpu.dma_semaphore, #tpu.memory_space<semaphore_mem>>) src(%dma_wait3A_466 : memref<100xi32, #tpu.memory_space<hbm>>) dst(%arg12 : memref<100xi32, #tpu.memory_space<vmem>>)
      } else {
      }
      %gt3A_285 = arith.constant 0 : i32
      %gt3A_286 = arith.cmpi sgt, %add3A_277, %gt3A_285 : i32
      %convert_element_type3A_287 = arith.extui %gt3A_286 : i1 to i32
      %cond3A_288 = arith.constant 0 : i32
      %cond3A_289 = arith.cmpi ne, %convert_element_type3A_287, %cond3A_288 : i32
      scf.if %cond3A_289 {
        %sub3A = arith.constant 1 : i32
        %sub3A_377 = arith.subi %add3A_277, %sub3A : i32
        %mul3A_378 = arith.constant 8 : i32
        %mul3A_379 = arith.muli %sub3A_377, %mul3A_378 : i32
        %add3A_380 = arith.addi %mul3A_2, %mul3A_379 : i32
        %dma_wait3A_381 = arith.constant 0 : i32
        %dma_wait3A_382 = arith.constant 0 : i32
        %dma_wait3A_383 = tpu.memref_slice %arg4[%add3A_380, %dma_wait3A_381, %dma_wait3A_382] : memref<16384x100x64xf32, #tpu.memory_space<hbm>> -> memref<8x100x64xf32, #tpu.memory_space<hbm>>
        %dma_wait3A_384 = arith.constant 0 : i32
        %dma_wait3A_385 = arith.constant 0 : i32
        %dma_wait3A_386 = tpu.memref_slice %arg4[%add3A_380, %dma_wait3A_384, %dma_wait3A_385] : memref<16384x100x64xf32, #tpu.memory_space<hbm>> -> memref<8x100x64xf32, #tpu.memory_space<hbm>>
        tpu.wait_dma2 semaphore(%arg27 : memref<!tpu.dma_semaphore, #tpu.memory_space<semaphore_mem>>) src(%arg21 : memref<8x100x64xf32, #tpu.memory_space<vmem>>) dst(%dma_wait3A_386 : memref<8x100x64xf32, #tpu.memory_space<hbm>>)
      } else {
      }
      %add3A_290 = arith.constant 1 : i32
      %add3A_291 = arith.addi %add3A_277, %add3A_290 : i32
      %lt3A_292 = arith.constant 64 : i32
      %lt3A_293 = arith.cmpi slt, %add3A_291, %lt3A_292 : i32
      %convert_element_type3A_294 = arith.extui %lt3A_293 : i1 to i32
      %cond3A_295 = arith.constant 0 : i32
      %cond3A_296 = arith.cmpi ne, %convert_element_type3A_294, %cond3A_295 : i32
      scf.if %cond3A_296 {
        %dma_start3A_377 = arith.constant 0 : i32
        %dma_start3A_378 = arith.constant 0 : i32
        %dma_start3A_379 = arith.constant 0 : i32
        %dma_start3A_380 = tpu.memref_slice %arg21[%dma_start3A_377, %dma_start3A_378, %dma_start3A_379] : memref<8x100x64xf32, #tpu.memory_space<vmem>> -> memref<1x100x64xf32, #tpu.memory_space<vmem>>
        %dma_start3A_381 = tpu.memref_squeeze %dma_start3A_380 : memref<1x100x64xf32, #tpu.memory_space<vmem>> -> memref<100x64xf32, #tpu.memory_space<vmem>>
        %dma_start3A_382 = arith.constant 0 : i32
        %dma_start3A_383 = arith.constant 0 : i32
        %dma_start3A_384 = tpu.memref_slice %arg2[%dma_start3A_382, %dma_start3A_383] : memref<1000000x64xf32, #tpu.memory_space<hbm>> -> memref<1000000x64xf32, #tpu.memory_space<hbm>>
        tpu.enqueue_indirect_dma source(%dma_start3A_384 : memref<1000000x64xf32, #tpu.memory_space<hbm>>) target(%dma_start3A_381 : memref<100x64xf32, #tpu.memory_space<vmem>>) offsets(%arg5 : memref<100xi32, #tpu.memory_space<vmem>>) semaphore(%arg23 : memref<!tpu.dma_semaphore, #tpu.memory_space<semaphore_mem>>)
        %dma_start3A_385 = arith.constant 1 : i32
        %dma_start3A_386 = arith.constant 0 : i32
        %dma_start3A_387 = arith.constant 0 : i32
        %dma_start3A_388 = tpu.memref_slice %arg21[%dma_start3A_385, %dma_start3A_386, %dma_start3A_387] : memref<8x100x64xf32, #tpu.memory_space<vmem>> -> memref<1x100x64xf32, #tpu.memory_space<vmem>>
        %dma_start3A_389 = tpu.memref_squeeze %dma_start3A_388 : memref<1x100x64xf32, #tpu.memory_space<vmem>> -> memref<100x64xf32, #tpu.memory_space<vmem>>
        %dma_start3A_390 = arith.constant 0 : i32
        %dma_start3A_391 = arith.constant 0 : i32
        %dma_start3A_392 = tpu.memref_slice %arg2[%dma_start3A_390, %dma_start3A_391] : memref<1000000x64xf32, #tpu.memory_space<hbm>> -> memref<1000000x64xf32, #tpu.memory_space<hbm>>
        tpu.enqueue_indirect_dma source(%dma_start3A_392 : memref<1000000x64xf32, #tpu.memory_space<hbm>>) target(%dma_start3A_389 : memref<100x64xf32, #tpu.memory_space<vmem>>) offsets(%arg6 : memref<100xi32, #tpu.memory_space<vmem>>) semaphore(%arg23 : memref<!tpu.dma_semaphore, #tpu.memory_space<semaphore_mem>>)
        %dma_start3A_393 = arith.constant 2 : i32
        %dma_start3A_394 = arith.constant 0 : i32
        %dma_start3A_395 = arith.constant 0 : i32
        %dma_start3A_396 = tpu.memref_slice %arg21[%dma_start3A_393, %dma_start3A_394, %dma_start3A_395] : memref<8x100x64xf32, #tpu.memory_space<vmem>> -> memref<1x100x64xf32, #tpu.memory_space<vmem>>
        %dma_start3A_397 = tpu.memref_squeeze %dma_start3A_396 : memref<1x100x64xf32, #tpu.memory_space<vmem>> -> memref<100x64xf32, #tpu.memory_space<vmem>>
        %dma_start3A_398 = arith.constant 0 : i32
        %dma_start3A_399 = arith.constant 0 : i32
        %dma_start3A_400 = tpu.memref_slice %arg2[%dma_start3A_398, %dma_start3A_399] : memref<1000000x64xf32, #tpu.memory_space<hbm>> -> memref<1000000x64xf32, #tpu.memory_space<hbm>>
        tpu.enqueue_indirect_dma source(%dma_start3A_400 : memref<1000000x64xf32, #tpu.memory_space<hbm>>) target(%dma_start3A_397 : memref<100x64xf32, #tpu.memory_space<vmem>>) offsets(%arg7 : memref<100xi32, #tpu.memory_space<vmem>>) semaphore(%arg23 : memref<!tpu.dma_semaphore, #tpu.memory_space<semaphore_mem>>)
        %dma_start3A_401 = arith.constant 3 : i32
        %dma_start3A_402 = arith.constant 0 : i32
        %dma_start3A_403 = arith.constant 0 : i32
        %dma_start3A_404 = tpu.memref_slice %arg21[%dma_start3A_401, %dma_start3A_402, %dma_start3A_403] : memref<8x100x64xf32, #tpu.memory_space<vmem>> -> memref<1x100x64xf32, #tpu.memory_space<vmem>>
        %dma_start3A_405 = tpu.memref_squeeze %dma_start3A_404 : memref<1x100x64xf32, #tpu.memory_space<vmem>> -> memref<100x64xf32, #tpu.memory_space<vmem>>
        %dma_start3A_406 = arith.constant 0 : i32
        %dma_start3A_407 = arith.constant 0 : i32
        %dma_start3A_408 = tpu.memref_slice %arg2[%dma_start3A_406, %dma_start3A_407] : memref<1000000x64xf32, #tpu.memory_space<hbm>> -> memref<1000000x64xf32, #tpu.memory_space<hbm>>
        tpu.enqueue_indirect_dma source(%dma_start3A_408 : memref<1000000x64xf32, #tpu.memory_space<hbm>>) target(%dma_start3A_405 : memref<100x64xf32, #tpu.memory_space<vmem>>) offsets(%arg8 : memref<100xi32, #tpu.memory_space<vmem>>) semaphore(%arg23 : memref<!tpu.dma_semaphore, #tpu.memory_space<semaphore_mem>>)
        %dma_start3A_409 = arith.constant 4 : i32
        %dma_start3A_410 = arith.constant 0 : i32
        %dma_start3A_411 = arith.constant 0 : i32
        %dma_start3A_412 = tpu.memref_slice %arg21[%dma_start3A_409, %dma_start3A_410, %dma_start3A_411] : memref<8x100x64xf32, #tpu.memory_space<vmem>> -> memref<1x100x64xf32, #tpu.memory_space<vmem>>
        %dma_start3A_413 = tpu.memref_squeeze %dma_start3A_412 : memref<1x100x64xf32, #tpu.memory_space<vmem>> -> memref<100x64xf32, #tpu.memory_space<vmem>>
        %dma_start3A_414 = arith.constant 0 : i32
        %dma_start3A_415 = arith.constant 0 : i32
        %dma_start3A_416 = tpu.memref_slice %arg2[%dma_start3A_414, %dma_start3A_415] : memref<1000000x64xf32, #tpu.memory_space<hbm>> -> memref<1000000x64xf32, #tpu.memory_space<hbm>>
        tpu.enqueue_indirect_dma source(%dma_start3A_416 : memref<1000000x64xf32, #tpu.memory_space<hbm>>) target(%dma_start3A_413 : memref<100x64xf32, #tpu.memory_space<vmem>>) offsets(%arg9 : memref<100xi32, #tpu.memory_space<vmem>>) semaphore(%arg23 : memref<!tpu.dma_semaphore, #tpu.memory_space<semaphore_mem>>)
        %dma_start3A_417 = arith.constant 5 : i32
        %dma_start3A_418 = arith.constant 0 : i32
        %dma_start3A_419 = arith.constant 0 : i32
        %dma_start3A_420 = tpu.memref_slice %arg21[%dma_start3A_417, %dma_start3A_418, %dma_start3A_419] : memref<8x100x64xf32, #tpu.memory_space<vmem>> -> memref<1x100x64xf32, #tpu.memory_space<vmem>>
        %dma_start3A_421 = tpu.memref_squeeze %dma_start3A_420 : memref<1x100x64xf32, #tpu.memory_space<vmem>> -> memref<100x64xf32, #tpu.memory_space<vmem>>
        %dma_start3A_422 = arith.constant 0 : i32
        %dma_start3A_423 = arith.constant 0 : i32
        %dma_start3A_424 = tpu.memref_slice %arg2[%dma_start3A_422, %dma_start3A_423] : memref<1000000x64xf32, #tpu.memory_space<hbm>> -> memref<1000000x64xf32, #tpu.memory_space<hbm>>
        tpu.enqueue_indirect_dma source(%dma_start3A_424 : memref<1000000x64xf32, #tpu.memory_space<hbm>>) target(%dma_start3A_421 : memref<100x64xf32, #tpu.memory_space<vmem>>) offsets(%arg10 : memref<100xi32, #tpu.memory_space<vmem>>) semaphore(%arg23 : memref<!tpu.dma_semaphore, #tpu.memory_space<semaphore_mem>>)
        %dma_start3A_425 = arith.constant 6 : i32
        %dma_start3A_426 = arith.constant 0 : i32
        %dma_start3A_427 = arith.constant 0 : i32
        %dma_start3A_428 = tpu.memref_slice %arg21[%dma_start3A_425, %dma_start3A_426, %dma_start3A_427] : memref<8x100x64xf32, #tpu.memory_space<vmem>> -> memref<1x100x64xf32, #tpu.memory_space<vmem>>
        %dma_start3A_429 = tpu.memref_squeeze %dma_start3A_428 : memref<1x100x64xf32, #tpu.memory_space<vmem>> -> memref<100x64xf32, #tpu.memory_space<vmem>>
        %dma_start3A_430 = arith.constant 0 : i32
        %dma_start3A_431 = arith.constant 0 : i32
        %dma_start3A_432 = tpu.memref_slice %arg2[%dma_start3A_430, %dma_start3A_431] : memref<1000000x64xf32, #tpu.memory_space<hbm>> -> memref<1000000x64xf32, #tpu.memory_space<hbm>>
        tpu.enqueue_indirect_dma source(%dma_start3A_432 : memref<1000000x64xf32, #tpu.memory_space<hbm>>) target(%dma_start3A_429 : memref<100x64xf32, #tpu.memory_space<vmem>>) offsets(%arg11 : memref<100xi32, #tpu.memory_space<vmem>>) semaphore(%arg23 : memref<!tpu.dma_semaphore, #tpu.memory_space<semaphore_mem>>)
        %dma_start3A_433 = arith.constant 7 : i32
        %dma_start3A_434 = arith.constant 0 : i32
        %dma_start3A_435 = arith.constant 0 : i32
        %dma_start3A_436 = tpu.memref_slice %arg21[%dma_start3A_433, %dma_start3A_434, %dma_start3A_435] : memref<8x100x64xf32, #tpu.memory_space<vmem>> -> memref<1x100x64xf32, #tpu.memory_space<vmem>>
        %dma_start3A_437 = tpu.memref_squeeze %dma_start3A_436 : memref<1x100x64xf32, #tpu.memory_space<vmem>> -> memref<100x64xf32, #tpu.memory_space<vmem>>
        %dma_start3A_438 = arith.constant 0 : i32
        %dma_start3A_439 = arith.constant 0 : i32
        %dma_start3A_440 = tpu.memref_slice %arg2[%dma_start3A_438, %dma_start3A_439] : memref<1000000x64xf32, #tpu.memory_space<hbm>> -> memref<1000000x64xf32, #tpu.memory_space<hbm>>
        tpu.enqueue_indirect_dma source(%dma_start3A_440 : memref<1000000x64xf32, #tpu.memory_space<hbm>>) target(%dma_start3A_437 : memref<100x64xf32, #tpu.memory_space<vmem>>) offsets(%arg12 : memref<100xi32, #tpu.memory_space<vmem>>) semaphore(%arg23 : memref<!tpu.dma_semaphore, #tpu.memory_space<semaphore_mem>>)
      } else {
      }
      %dma_wait3A_297 = arith.constant 0 : i32
      %dma_wait3A_298 = arith.constant 0 : i32
      %dma_wait3A_299 = arith.constant 0 : i32
      %dma_wait3A_300 = tpu.memref_slice %arg22[%dma_wait3A_297, %dma_wait3A_298, %dma_wait3A_299] : memref<8x100x64xf32, #tpu.memory_space<vmem>> -> memref<1x100x64xf32, #tpu.memory_space<vmem>>
      %dma_wait3A_301 = tpu.memref_squeeze %dma_wait3A_300 : memref<1x100x64xf32, #tpu.memory_space<vmem>> -> memref<100x64xf32, #tpu.memory_space<vmem>>
      %dma_wait3A_302 = arith.constant 0 : i32
      %dma_wait3A_303 = arith.constant 0 : i32
      %dma_wait3A_304 = tpu.memref_slice %arg2[%dma_wait3A_302, %dma_wait3A_303] : memref<1000000x64xf32, #tpu.memory_space<hbm>> -> memref<1000000x64xf32, #tpu.memory_space<hbm>>
      tpu.wait_indirect_dma semaphore(%arg24 : memref<!tpu.dma_semaphore, #tpu.memory_space<semaphore_mem>>) src(%dma_wait3A_304 : memref<1000000x64xf32, #tpu.memory_space<hbm>>) dst(%dma_wait3A_301 : memref<100x64xf32, #tpu.memory_space<vmem>>)
      %dma_wait3A_305 = arith.constant 1 : i32
      %dma_wait3A_306 = arith.constant 0 : i32
      %dma_wait3A_307 = arith.constant 0 : i32
      %dma_wait3A_308 = tpu.memref_slice %arg22[%dma_wait3A_305, %dma_wait3A_306, %dma_wait3A_307] : memref<8x100x64xf32, #tpu.memory_space<vmem>> -> memref<1x100x64xf32, #tpu.memory_space<vmem>>
      %dma_wait3A_309 = tpu.memref_squeeze %dma_wait3A_308 : memref<1x100x64xf32, #tpu.memory_space<vmem>> -> memref<100x64xf32, #tpu.memory_space<vmem>>
      %dma_wait3A_310 = arith.constant 0 : i32
      %dma_wait3A_311 = arith.constant 0 : i32
      %dma_wait3A_312 = tpu.memref_slice %arg2[%dma_wait3A_310, %dma_wait3A_311] : memref<1000000x64xf32, #tpu.memory_space<hbm>> -> memref<1000000x64xf32, #tpu.memory_space<hbm>>
      tpu.wait_indirect_dma semaphore(%arg24 : memref<!tpu.dma_semaphore, #tpu.memory_space<semaphore_mem>>) src(%dma_wait3A_312 : memref<1000000x64xf32, #tpu.memory_space<hbm>>) dst(%dma_wait3A_309 : memref<100x64xf32, #tpu.memory_space<vmem>>)
      %dma_wait3A_313 = arith.constant 2 : i32
      %dma_wait3A_314 = arith.constant 0 : i32
      %dma_wait3A_315 = arith.constant 0 : i32
      %dma_wait3A_316 = tpu.memref_slice %arg22[%dma_wait3A_313, %dma_wait3A_314, %dma_wait3A_315] : memref<8x100x64xf32, #tpu.memory_space<vmem>> -> memref<1x100x64xf32, #tpu.memory_space<vmem>>
      %dma_wait3A_317 = tpu.memref_squeeze %dma_wait3A_316 : memref<1x100x64xf32, #tpu.memory_space<vmem>> -> memref<100x64xf32, #tpu.memory_space<vmem>>
      %dma_wait3A_318 = arith.constant 0 : i32
      %dma_wait3A_319 = arith.constant 0 : i32
      %dma_wait3A_320 = tpu.memref_slice %arg2[%dma_wait3A_318, %dma_wait3A_319] : memref<1000000x64xf32, #tpu.memory_space<hbm>> -> memref<1000000x64xf32, #tpu.memory_space<hbm>>
      tpu.wait_indirect_dma semaphore(%arg24 : memref<!tpu.dma_semaphore, #tpu.memory_space<semaphore_mem>>) src(%dma_wait3A_320 : memref<1000000x64xf32, #tpu.memory_space<hbm>>) dst(%dma_wait3A_317 : memref<100x64xf32, #tpu.memory_space<vmem>>)
      %dma_wait3A_321 = arith.constant 3 : i32
      %dma_wait3A_322 = arith.constant 0 : i32
      %dma_wait3A_323 = arith.constant 0 : i32
      %dma_wait3A_324 = tpu.memref_slice %arg22[%dma_wait3A_321, %dma_wait3A_322, %dma_wait3A_323] : memref<8x100x64xf32, #tpu.memory_space<vmem>> -> memref<1x100x64xf32, #tpu.memory_space<vmem>>
      %dma_wait3A_325 = tpu.memref_squeeze %dma_wait3A_324 : memref<1x100x64xf32, #tpu.memory_space<vmem>> -> memref<100x64xf32, #tpu.memory_space<vmem>>
      %dma_wait3A_326 = arith.constant 0 : i32
      %dma_wait3A_327 = arith.constant 0 : i32
      %dma_wait3A_328 = tpu.memref_slice %arg2[%dma_wait3A_326, %dma_wait3A_327] : memref<1000000x64xf32, #tpu.memory_space<hbm>> -> memref<1000000x64xf32, #tpu.memory_space<hbm>>
      tpu.wait_indirect_dma semaphore(%arg24 : memref<!tpu.dma_semaphore, #tpu.memory_space<semaphore_mem>>) src(%dma_wait3A_328 : memref<1000000x64xf32, #tpu.memory_space<hbm>>) dst(%dma_wait3A_325 : memref<100x64xf32, #tpu.memory_space<vmem>>)
      %dma_wait3A_329 = arith.constant 4 : i32
      %dma_wait3A_330 = arith.constant 0 : i32
      %dma_wait3A_331 = arith.constant 0 : i32
      %dma_wait3A_332 = tpu.memref_slice %arg22[%dma_wait3A_329, %dma_wait3A_330, %dma_wait3A_331] : memref<8x100x64xf32, #tpu.memory_space<vmem>> -> memref<1x100x64xf32, #tpu.memory_space<vmem>>
      %dma_wait3A_333 = tpu.memref_squeeze %dma_wait3A_332 : memref<1x100x64xf32, #tpu.memory_space<vmem>> -> memref<100x64xf32, #tpu.memory_space<vmem>>
      %dma_wait3A_334 = arith.constant 0 : i32
      %dma_wait3A_335 = arith.constant 0 : i32
      %dma_wait3A_336 = tpu.memref_slice %arg2[%dma_wait3A_334, %dma_wait3A_335] : memref<1000000x64xf32, #tpu.memory_space<hbm>> -> memref<1000000x64xf32, #tpu.memory_space<hbm>>
      tpu.wait_indirect_dma semaphore(%arg24 : memref<!tpu.dma_semaphore, #tpu.memory_space<semaphore_mem>>) src(%dma_wait3A_336 : memref<1000000x64xf32, #tpu.memory_space<hbm>>) dst(%dma_wait3A_333 : memref<100x64xf32, #tpu.memory_space<vmem>>)
      %dma_wait3A_337 = arith.constant 5 : i32
      %dma_wait3A_338 = arith.constant 0 : i32
      %dma_wait3A_339 = arith.constant 0 : i32
      %dma_wait3A_340 = tpu.memref_slice %arg22[%dma_wait3A_337, %dma_wait3A_338, %dma_wait3A_339] : memref<8x100x64xf32, #tpu.memory_space<vmem>> -> memref<1x100x64xf32, #tpu.memory_space<vmem>>
      %dma_wait3A_341 = tpu.memref_squeeze %dma_wait3A_340 : memref<1x100x64xf32, #tpu.memory_space<vmem>> -> memref<100x64xf32, #tpu.memory_space<vmem>>
      %dma_wait3A_342 = arith.constant 0 : i32
      %dma_wait3A_343 = arith.constant 0 : i32
      %dma_wait3A_344 = tpu.memref_slice %arg2[%dma_wait3A_342, %dma_wait3A_343] : memref<1000000x64xf32, #tpu.memory_space<hbm>> -> memref<1000000x64xf32, #tpu.memory_space<hbm>>
      tpu.wait_indirect_dma semaphore(%arg24 : memref<!tpu.dma_semaphore, #tpu.memory_space<semaphore_mem>>) src(%dma_wait3A_344 : memref<1000000x64xf32, #tpu.memory_space<hbm>>) dst(%dma_wait3A_341 : memref<100x64xf32, #tpu.memory_space<vmem>>)
      %dma_wait3A_345 = arith.constant 6 : i32
      %dma_wait3A_346 = arith.constant 0 : i32
      %dma_wait3A_347 = arith.constant 0 : i32
      %dma_wait3A_348 = tpu.memref_slice %arg22[%dma_wait3A_345, %dma_wait3A_346, %dma_wait3A_347] : memref<8x100x64xf32, #tpu.memory_space<vmem>> -> memref<1x100x64xf32, #tpu.memory_space<vmem>>
      %dma_wait3A_349 = tpu.memref_squeeze %dma_wait3A_348 : memref<1x100x64xf32, #tpu.memory_space<vmem>> -> memref<100x64xf32, #tpu.memory_space<vmem>>
      %dma_wait3A_350 = arith.constant 0 : i32
      %dma_wait3A_351 = arith.constant 0 : i32
      %dma_wait3A_352 = tpu.memref_slice %arg2[%dma_wait3A_350, %dma_wait3A_351] : memref<1000000x64xf32, #tpu.memory_space<hbm>> -> memref<1000000x64xf32, #tpu.memory_space<hbm>>
      tpu.wait_indirect_dma semaphore(%arg24 : memref<!tpu.dma_semaphore, #tpu.memory_space<semaphore_mem>>) src(%dma_wait3A_352 : memref<1000000x64xf32, #tpu.memory_space<hbm>>) dst(%dma_wait3A_349 : memref<100x64xf32, #tpu.memory_space<vmem>>)
      %dma_wait3A_353 = arith.constant 7 : i32
      %dma_wait3A_354 = arith.constant 0 : i32
      %dma_wait3A_355 = arith.constant 0 : i32
      %dma_wait3A_356 = tpu.memref_slice %arg22[%dma_wait3A_353, %dma_wait3A_354, %dma_wait3A_355] : memref<8x100x64xf32, #tpu.memory_space<vmem>> -> memref<1x100x64xf32, #tpu.memory_space<vmem>>
      %dma_wait3A_357 = tpu.memref_squeeze %dma_wait3A_356 : memref<1x100x64xf32, #tpu.memory_space<vmem>> -> memref<100x64xf32, #tpu.memory_space<vmem>>
      %dma_wait3A_358 = arith.constant 0 : i32
      %dma_wait3A_359 = arith.constant 0 : i32
      %dma_wait3A_360 = tpu.memref_slice %arg2[%dma_wait3A_358, %dma_wait3A_359] : memref<1000000x64xf32, #tpu.memory_space<hbm>> -> memref<1000000x64xf32, #tpu.memory_space<hbm>>
      tpu.wait_indirect_dma semaphore(%arg24 : memref<!tpu.dma_semaphore, #tpu.memory_space<semaphore_mem>>) src(%dma_wait3A_360 : memref<1000000x64xf32, #tpu.memory_space<hbm>>) dst(%dma_wait3A_357 : memref<100x64xf32, #tpu.memory_space<vmem>>)
      %mul3A_361 = arith.constant 8 : i32
      %mul3A_362 = arith.muli %add3A_277, %mul3A_361 : i32
      %add3A_363 = arith.addi %mul3A_2, %mul3A_362 : i32
      %dma_start3A_364 = arith.constant 0 : i32
      %dma_start3A_365 = arith.constant 0 : i32
      %dma_start3A_366 = tpu.memref_slice %arg4[%add3A_363, %dma_start3A_364, %dma_start3A_365] : memref<16384x100x64xf32, #tpu.memory_space<hbm>> -> memref<8x100x64xf32, #tpu.memory_space<hbm>>
      %dma_start3A_367 = arith.constant 0 : i32
      %dma_start3A_368 = arith.constant 0 : i32
      %dma_start3A_369 = tpu.memref_slice %arg4[%add3A_363, %dma_start3A_367, %dma_start3A_368] : memref<16384x100x64xf32, #tpu.memory_space<hbm>> -> memref<8x100x64xf32, #tpu.memory_space<hbm>>
      tpu.enqueue_dma source(%arg22 : memref<8x100x64xf32, #tpu.memory_space<vmem>>) target(%dma_start3A_369 : memref<8x100x64xf32, #tpu.memory_space<hbm>>) target_semaphore(%arg28 : memref<!tpu.dma_semaphore, #tpu.memory_space<semaphore_mem>>)
      %add3A_370 = arith.constant 2 : i32
      %add3A_371 = arith.addi %add3A_277, %add3A_370 : i32
      %lt3A_372 = arith.constant 64 : i32
      %lt3A_373 = arith.cmpi slt, %add3A_371, %lt3A_372 : i32
      %convert_element_type3A_374 = arith.extui %lt3A_373 : i1 to i32
      %cond3A_375 = arith.constant 0 : i32
      %cond3A_376 = arith.cmpi ne, %convert_element_type3A_374, %cond3A_375 : i32
      scf.if %cond3A_376 {
        %add3A_377 = arith.constant 2 : i32
        %add3A_378 = arith.addi %add3A_277, %add3A_377 : i32
        %mul3A_379 = arith.constant 8 : i32
        %mul3A_380 = arith.muli %add3A_378, %mul3A_379 : i32
        %add3A_381 = arith.addi %mul3A_2, %mul3A_380 : i32
        %add3A_382 = arith.constant 0 : i32
        %add3A_383 = arith.addi %add3A_381, %add3A_382 : i32
        %dma_start3A_384 = arith.constant 0 : i32
        %dma_start3A_385 = tpu.memref_slice %arg3[%add3A_383, %dma_start3A_384] : memref<16384x100xi32, #tpu.memory_space<hbm>> -> memref<1x100xi32, #tpu.memory_space<hbm>>
        %dma_start3A_386 = tpu.memref_squeeze %dma_start3A_385 : memref<1x100xi32, #tpu.memory_space<hbm>> -> memref<100xi32, #tpu.memory_space<hbm>>
        %dma_start3A_387 = arith.constant 0 : i32
        %dma_start3A_388 = tpu.memref_slice %arg3[%add3A_383, %dma_start3A_387] : memref<16384x100xi32, #tpu.memory_space<hbm>> -> memref<1x100xi32, #tpu.memory_space<hbm>>
        %dma_start3A_389 = tpu.memref_squeeze %dma_start3A_388 : memref<1x100xi32, #tpu.memory_space<hbm>> -> memref<100xi32, #tpu.memory_space<hbm>>
        tpu.enqueue_dma source(%dma_start3A_389 : memref<100xi32, #tpu.memory_space<hbm>>) target(%arg13 : memref<100xi32, #tpu.memory_space<vmem>>) target_semaphore(%arg26 : memref<!tpu.dma_semaphore, #tpu.memory_space<semaphore_mem>>)
        %mul3A_390 = arith.constant 8 : i32
        %mul3A_391 = arith.muli %add3A_378, %mul3A_390 : i32
        %add3A_392 = arith.addi %mul3A_2, %mul3A_391 : i32
        %add3A_393 = arith.constant 1 : i32
        %add3A_394 = arith.addi %add3A_392, %add3A_393 : i32
        %dma_start3A_395 = arith.constant 0 : i32
        %dma_start3A_396 = tpu.memref_slice %arg3[%add3A_394, %dma_start3A_395] : memref<16384x100xi32, #tpu.memory_space<hbm>> -> memref<1x100xi32, #tpu.memory_space<hbm>>
        %dma_start3A_397 = tpu.memref_squeeze %dma_start3A_396 : memref<1x100xi32, #tpu.memory_space<hbm>> -> memref<100xi32, #tpu.memory_space<hbm>>
        %dma_start3A_398 = arith.constant 0 : i32
        %dma_start3A_399 = tpu.memref_slice %arg3[%add3A_394, %dma_start3A_398] : memref<16384x100xi32, #tpu.memory_space<hbm>> -> memref<1x100xi32, #tpu.memory_space<hbm>>
        %dma_start3A_400 = tpu.memref_squeeze %dma_start3A_399 : memref<1x100xi32, #tpu.memory_space<hbm>> -> memref<100xi32, #tpu.memory_space<hbm>>
        tpu.enqueue_dma source(%dma_start3A_400 : memref<100xi32, #tpu.memory_space<hbm>>) target(%arg14 : memref<100xi32, #tpu.memory_space<vmem>>) target_semaphore(%arg26 : memref<!tpu.dma_semaphore, #tpu.memory_space<semaphore_mem>>)
        %mul3A_401 = arith.constant 8 : i32
        %mul3A_402 = arith.muli %add3A_378, %mul3A_401 : i32
        %add3A_403 = arith.addi %mul3A_2, %mul3A_402 : i32
        %add3A_404 = arith.constant 2 : i32
        %add3A_405 = arith.addi %add3A_403, %add3A_404 : i32
        %dma_start3A_406 = arith.constant 0 : i32
        %dma_start3A_407 = tpu.memref_slice %arg3[%add3A_405, %dma_start3A_406] : memref<16384x100xi32, #tpu.memory_space<hbm>> -> memref<1x100xi32, #tpu.memory_space<hbm>>
        %dma_start3A_408 = tpu.memref_squeeze %dma_start3A_407 : memref<1x100xi32, #tpu.memory_space<hbm>> -> memref<100xi32, #tpu.memory_space<hbm>>
        %dma_start3A_409 = arith.constant 0 : i32
        %dma_start3A_410 = tpu.memref_slice %arg3[%add3A_405, %dma_start3A_409] : memref<16384x100xi32, #tpu.memory_space<hbm>> -> memref<1x100xi32, #tpu.memory_space<hbm>>
        %dma_start3A_411 = tpu.memref_squeeze %dma_start3A_410 : memref<1x100xi32, #tpu.memory_space<hbm>> -> memref<100xi32, #tpu.memory_space<hbm>>
        tpu.enqueue_dma source(%dma_start3A_411 : memref<100xi32, #tpu.memory_space<hbm>>) target(%arg15 : memref<100xi32, #tpu.memory_space<vmem>>) target_semaphore(%arg26 : memref<!tpu.dma_semaphore, #tpu.memory_space<semaphore_mem>>)
        %mul3A_412 = arith.constant 8 : i32
        %mul3A_413 = arith.muli %add3A_378, %mul3A_412 : i32
        %add3A_414 = arith.addi %mul3A_2, %mul3A_413 : i32
        %add3A_415 = arith.constant 3 : i32
        %add3A_416 = arith.addi %add3A_414, %add3A_415 : i32
        %dma_start3A_417 = arith.constant 0 : i32
        %dma_start3A_418 = tpu.memref_slice %arg3[%add3A_416, %dma_start3A_417] : memref<16384x100xi32, #tpu.memory_space<hbm>> -> memref<1x100xi32, #tpu.memory_space<hbm>>
        %dma_start3A_419 = tpu.memref_squeeze %dma_start3A_418 : memref<1x100xi32, #tpu.memory_space<hbm>> -> memref<100xi32, #tpu.memory_space<hbm>>
        %dma_start3A_420 = arith.constant 0 : i32
        %dma_start3A_421 = tpu.memref_slice %arg3[%add3A_416, %dma_start3A_420] : memref<16384x100xi32, #tpu.memory_space<hbm>> -> memref<1x100xi32, #tpu.memory_space<hbm>>
        %dma_start3A_422 = tpu.memref_squeeze %dma_start3A_421 : memref<1x100xi32, #tpu.memory_space<hbm>> -> memref<100xi32, #tpu.memory_space<hbm>>
        tpu.enqueue_dma source(%dma_start3A_422 : memref<100xi32, #tpu.memory_space<hbm>>) target(%arg16 : memref<100xi32, #tpu.memory_space<vmem>>) target_semaphore(%arg26 : memref<!tpu.dma_semaphore, #tpu.memory_space<semaphore_mem>>)
        %mul3A_423 = arith.constant 8 : i32
        %mul3A_424 = arith.muli %add3A_378, %mul3A_423 : i32
        %add3A_425 = arith.addi %mul3A_2, %mul3A_424 : i32
        %add3A_426 = arith.constant 4 : i32
        %add3A_427 = arith.addi %add3A_425, %add3A_426 : i32
        %dma_start3A_428 = arith.constant 0 : i32
        %dma_start3A_429 = tpu.memref_slice %arg3[%add3A_427, %dma_start3A_428] : memref<16384x100xi32, #tpu.memory_space<hbm>> -> memref<1x100xi32, #tpu.memory_space<hbm>>
        %dma_start3A_430 = tpu.memref_squeeze %dma_start3A_429 : memref<1x100xi32, #tpu.memory_space<hbm>> -> memref<100xi32, #tpu.memory_space<hbm>>
        %dma_start3A_431 = arith.constant 0 : i32
        %dma_start3A_432 = tpu.memref_slice %arg3[%add3A_427, %dma_start3A_431] : memref<16384x100xi32, #tpu.memory_space<hbm>> -> memref<1x100xi32, #tpu.memory_space<hbm>>
        %dma_start3A_433 = tpu.memref_squeeze %dma_start3A_432 : memref<1x100xi32, #tpu.memory_space<hbm>> -> memref<100xi32, #tpu.memory_space<hbm>>
        tpu.enqueue_dma source(%dma_start3A_433 : memref<100xi32, #tpu.memory_space<hbm>>) target(%arg17 : memref<100xi32, #tpu.memory_space<vmem>>) target_semaphore(%arg26 : memref<!tpu.dma_semaphore, #tpu.memory_space<semaphore_mem>>)
        %mul3A_434 = arith.constant 8 : i32
        %mul3A_435 = arith.muli %add3A_378, %mul3A_434 : i32
        %add3A_436 = arith.addi %mul3A_2, %mul3A_435 : i32
        %add3A_437 = arith.constant 5 : i32
        %add3A_438 = arith.addi %add3A_436, %add3A_437 : i32
        %dma_start3A_439 = arith.constant 0 : i32
        %dma_start3A_440 = tpu.memref_slice %arg3[%add3A_438, %dma_start3A_439] : memref<16384x100xi32, #tpu.memory_space<hbm>> -> memref<1x100xi32, #tpu.memory_space<hbm>>
        %dma_start3A_441 = tpu.memref_squeeze %dma_start3A_440 : memref<1x100xi32, #tpu.memory_space<hbm>> -> memref<100xi32, #tpu.memory_space<hbm>>
        %dma_start3A_442 = arith.constant 0 : i32
        %dma_start3A_443 = tpu.memref_slice %arg3[%add3A_438, %dma_start3A_442] : memref<16384x100xi32, #tpu.memory_space<hbm>> -> memref<1x100xi32, #tpu.memory_space<hbm>>
        %dma_start3A_444 = tpu.memref_squeeze %dma_start3A_443 : memref<1x100xi32, #tpu.memory_space<hbm>> -> memref<100xi32, #tpu.memory_space<hbm>>
        tpu.enqueue_dma source(%dma_start3A_444 : memref<100xi32, #tpu.memory_space<hbm>>) target(%arg18 : memref<100xi32, #tpu.memory_space<vmem>>) target_semaphore(%arg26 : memref<!tpu.dma_semaphore, #tpu.memory_space<semaphore_mem>>)
        %mul3A_445 = arith.constant 8 : i32
        %mul3A_446 = arith.muli %add3A_378, %mul3A_445 : i32
        %add3A_447 = arith.addi %mul3A_2, %mul3A_446 : i32
        %add3A_448 = arith.constant 6 : i32
        %add3A_449 = arith.addi %add3A_447, %add3A_448 : i32
        %dma_start3A_450 = arith.constant 0 : i32
        %dma_start3A_451 = tpu.memref_slice %arg3[%add3A_449, %dma_start3A_450] : memref<16384x100xi32, #tpu.memory_space<hbm>> -> memref<1x100xi32, #tpu.memory_space<hbm>>
        %dma_start3A_452 = tpu.memref_squeeze %dma_start3A_451 : memref<1x100xi32, #tpu.memory_space<hbm>> -> memref<100xi32, #tpu.memory_space<hbm>>
        %dma_start3A_453 = arith.constant 0 : i32
        %dma_start3A_454 = tpu.memref_slice %arg3[%add3A_449, %dma_start3A_453] : memref<16384x100xi32, #tpu.memory_space<hbm>> -> memref<1x100xi32, #tpu.memory_space<hbm>>
        %dma_start3A_455 = tpu.memref_squeeze %dma_start3A_454 : memref<1x100xi32, #tpu.memory_space<hbm>> -> memref<100xi32, #tpu.memory_space<hbm>>
        tpu.enqueue_dma source(%dma_start3A_455 : memref<100xi32, #tpu.memory_space<hbm>>) target(%arg19 : memref<100xi32, #tpu.memory_space<vmem>>) target_semaphore(%arg26 : memref<!tpu.dma_semaphore, #tpu.memory_space<semaphore_mem>>)
        %mul3A_456 = arith.constant 8 : i32
        %mul3A_457 = arith.muli %add3A_378, %mul3A_456 : i32
        %add3A_458 = arith.addi %mul3A_2, %mul3A_457 : i32
        %add3A_459 = arith.constant 7 : i32
        %add3A_460 = arith.addi %add3A_458, %add3A_459 : i32
        %dma_start3A_461 = arith.constant 0 : i32
        %dma_start3A_462 = tpu.memref_slice %arg3[%add3A_460, %dma_start3A_461] : memref<16384x100xi32, #tpu.memory_space<hbm>> -> memref<1x100xi32, #tpu.memory_space<hbm>>
        %dma_start3A_463 = tpu.memref_squeeze %dma_start3A_462 : memref<1x100xi32, #tpu.memory_space<hbm>> -> memref<100xi32, #tpu.memory_space<hbm>>
        %dma_start3A_464 = arith.constant 0 : i32
        %dma_start3A_465 = tpu.memref_slice %arg3[%add3A_460, %dma_start3A_464] : memref<16384x100xi32, #tpu.memory_space<hbm>> -> memref<1x100xi32, #tpu.memory_space<hbm>>
        %dma_start3A_466 = tpu.memref_squeeze %dma_start3A_465 : memref<1x100xi32, #tpu.memory_space<hbm>> -> memref<100xi32, #tpu.memory_space<hbm>>
        tpu.enqueue_dma source(%dma_start3A_466 : memref<100xi32, #tpu.memory_space<hbm>>) target(%arg20 : memref<100xi32, #tpu.memory_space<vmem>>) target_semaphore(%arg26 : memref<!tpu.dma_semaphore, #tpu.memory_space<semaphore_mem>>)
      } else {
      }
    }
    %scan3A_166 = arith.constant 32 : i32
    %add3A_167 = arith.constant 504 : i32
    %add3A_168 = arith.addi %mul3A_2, %add3A_167 : i32
    %dma_wait3A = arith.constant 0 : i32
    %dma_wait3A_169 = arith.constant 0 : i32
    %dma_wait3A_170 = tpu.memref_slice %arg4[%add3A_168, %dma_wait3A, %dma_wait3A_169] : memref<16384x100x64xf32, #tpu.memory_space<hbm>> -> memref<8x100x64xf32, #tpu.memory_space<hbm>>
    %dma_wait3A_171 = arith.constant 0 : i32
    %dma_wait3A_172 = arith.constant 0 : i32
    %dma_wait3A_173 = tpu.memref_slice %arg4[%add3A_168, %dma_wait3A_171, %dma_wait3A_172] : memref<16384x100x64xf32, #tpu.memory_space<hbm>> -> memref<8x100x64xf32, #tpu.memory_space<hbm>>
    tpu.wait_dma2 semaphore(%arg28 : memref<!tpu.dma_semaphore, #tpu.memory_space<semaphore_mem>>) src(%arg22 : memref<8x100x64xf32, #tpu.memory_space<vmem>>) dst(%dma_wait3A_173 : memref<8x100x64xf32, #tpu.memory_space<hbm>>)
    return
  }
}

</mosaic_0001>

<sc_bundles>
// kernel: kernel.3.cloned.1.call-start
scs
__scs_entry_jumppad:
0x0: {  	(pc) =	sbr.rel $0x88, $3  }
0x1: {  	(tag) =	ssettag $0x0;
	lr =	simm.s32 $0x1  }
0x2: {  	[smem:$0x3F9F] =	sst lr;
	_ =	strace $0xD0000000  }
0x3: {  	_ = 	snop  }
0x4: {  	_ = 	snop  }
0x5: {  	_ = 	snop  }
0x6: {  	_ = 	snop  }
0x7: {  	_ = 	snop  }
__scs_overlays_trampoline_lowered:
0x8: {  	[smem:$0x3FAE] =	sst s0  }
0x9: {  	[smem:$0x3FAF] =	sst s1  }
0xa: {  	[smem:$0x3FB0] =	sst s2  }
0xb: {  	[smem:$0x3FB1] =	sst s3  }
0xc: {  	[smem:$0x3FB2] =	sst s4  }
0xd: {  	[smem:$0x3FB3] =	sst s5  }
0xe: {  	[smem:$0x3FB4] =	sst s6  }
0xf: {  	[smem:$0x3FB5] =	sst s7  }
0x10: {  	[smem:$0x3FB6] =	sst s8  }
0x11: {  	[smem:$0x3FB7] =	sst s9;
	s0 =	simm.s32 @!p0 $0x0  }
0x12: {  	s1 =	sld [smem:$0x3F9D];
	s0 =	simm.s32 @p0 $0x1  }
0x13: {  	[smem:$0x3FB8] =	sst s0;
	s0 =	simm.s32 @!p1 $0x0  }
0x14: {  	s2 =	sld [smem:$0x3F9C];
	s0 =	simm.s32 @p1 $0x1  }
0x15: {  	[smem:$0x3FB9] =	sst s0;
	s0 =	simm.s32 @!p2 $0x0  }
0x16: {  	s3 =	sld [smem:$0x3FDB];
	s0 =	simm.s32 @p2 $0x1  }
0x17: {  	s4 =	simm.s32 $0x1BF5;
	[smem:$0x3FBB] =	sst s0  }
0x18: {  	s0 =	sld [smem:$0x3F9E];
	_ =	swait.ge [sflag:s4], $0x0  }
0x19: {  	s7 =	sld [smem:$0x3F9F]  }
0x1a: {  	s8 =	sadd.s32 $0xFFFFE003, lr  }
0x1b: {  	s9 =	sadd.s32 $0xFFFFFEF7, lr;
	s5 =	simm.s32 $0xFFFFFFFF;
	p2 =	slt.u32 s8, $0xFFFFF086  }
0x1c: {  	p1 =	slt.u32 s9, $0xF7A;
	s5 =	simm.s32 @!p2 $0x0  }
0x1d: {  	s5 =	simm.s32 @p1 $0x1;
	p0 =	seq.s32 s7, s2  }
0x1e: {  	s7 =	smul.u32 @!p0 $0xF7A, s2;
	p2 =	seq.s32 @!p0 s5, $0x0  }
0x1f: {  	s9 =	smul.u32 $0xF7A, s1;
	s8 =	simm.s32 @!p0 $0x1BF5;
	p2 =	por !p2, p0  }
0x20: {  	[sflag:s8] =	ssyncset.s32 @!p0 $0xFFFFF086;
	s6 =	sadd.s32 @!p0 s3, s7;
	s7 =	simm.s32 @!p0 $0x108  }
0x21: {  	s3 =	sadd.s32 s3, s9;
	s6 =	sadd.s32 @!p0 $0x88, s6;
	s7 =	simm.s32 @p2 $0x1082  }
0x22: {  	[simem:s7], [sflag:s8] =	dma.local @!p0 [hbm:s6], $0xF7A  }
0x23: {  	s9 =	sor.u32 $0xD0000000, s2;
	s6 =	simm.s32 $0x108;
	_ =	swait.ge @!p0 [sflag:s8], $0x0  }
0x24: {  	s3 =	sadd.s32 $0x88, s3;
	s6 =	simm.s32 @!p1 $0x1082;
	[sflag:s4] =	ssyncset.s32 $0xFFFFF086  }
0x25: {  	[simem:s6], [sflag:s4] =	dma.local [hbm:s3], $0xF7A  }
0x26: {  	[smem:$0x3F9F] =	sst s1;
	(tag) =	ssettag s2;
	_ =	strace s9  }
0x27: {  	s1 =	sld [smem:$0x3FAF]  }
0x28: {  	s2 =	sld [smem:$0x3FB0]  }
0x29: {  	s4 =	sld [smem:$0x3FB2]  }
0x2a: {  	p0 =	seq.s32 s5, $0x0;
	s5 =	sld [smem:$0x3FB3]  }
0x2b: {  	s6 =	sld [smem:$0x3FB4]  }
0x2c: {  	s7 =	sld [smem:$0x3FB5]  }
0x2d: {  	s3 =	simm.s32 $0x108;
	s8 =	sld [smem:$0x3FB6]  }
0x2e: {  	s3 =	simm.s32 @!p0 $0x1082;
	s9 =	sld [smem:$0x3FB7]  }
0x2f: {  	lr =	sadd.s32 s0, s3;
	s0 =	sld [smem:$0x3FAE]  }
0x30: {  	s3 =	sld [smem:$0x3FB1]  }
0x31: {  	[smem:$0x3FBA] =	sst s10  }
0x32: {  	s10 =	sld [smem:$0x3FB8];
	_ =	sdelay $0x3  }
0x33: {  	p0 =	seq.s32 s10, $0x1;
	s10 =	sld [smem:$0x3FBA];
	_ =	sdelay $0x3  }
0x34: {  	[smem:$0x3FBA] =	sst s10  }
0x35: {  	s10 =	sld [smem:$0x3FB9];
	_ =	sdelay $0x3  }
0x36: {  	p1 =	seq.s32 s10, $0x1;
	s10 =	sld [smem:$0x3FBA];
	_ =	sdelay $0x3  }
0x37: {  	[smem:$0x3FBA] =	sst s10  }
0x38: {  	s10 =	sld [smem:$0x3FBB]  }
0x39: {  	_ = 	snop;
	(pc) =	sbr.ind lr, $3  }
0x3a: {  	_ = 	snop  }
0x3b: {  	_ = 	snop  }
0x3c: {  	p2 =	seq.s32 s10, $0x1;
	s10 =	sld [smem:$0x3FBA]  }
0x3d: {  	_ =	shalt  }
0x3e: {  	_ =	shalt  }
0x3f: {  	_ =	shalt  }
0x40: {  	_ =	shalt  }
0x41: {  	_ =	shalt  }
0x42: {  	_ =	shalt  }
0x43: {  	_ =	shalt  }
0x44: {  	_ =	shalt  }
0x45: {  	_ =	shalt  }
0x46: {  	_ =	shalt  }
0x47: {  	_ =	shalt  }
0x48: {  	_ =	shalt  }
0x49: {  	_ =	shalt  }
0x4a: {  	_ =	shalt  }
0x4b: {  	_ =	shalt  }
0x4c: {  	_ =	shalt  }
0x4d: {  	_ =	shalt  }
0x4e: {  	_ =	shalt  }
0x4f: {  	_ =	shalt  }
0x50: {  	_ =	shalt  }
0x51: {  	_ =	shalt  }
0x52: {  	_ =	shalt  }
0x53: {  	_ =	shalt  }
0x54: {  	_ =	shalt  }
0x55: {  	_ =	shalt  }
0x56: {  	_ =	shalt  }
0x57: {  	_ =	shalt  }
0x58: {  	_ =	shalt  }
0x59: {  	_ =	shalt  }
0x5a: {  	_ =	shalt  }
0x5b: {  	_ =	shalt  }
0x5c: {  	_ =	shalt  }
0x5d: {  	_ =	shalt  }
0x5e: {  	_ =	shalt  }
0x5f: {  	_ =	shalt  }
0x60: {  	_ =	shalt  }
0x61: {  	_ =	shalt  }
0x62: {  	_ =	shalt  }
0x63: {  	_ =	shalt  }
0x64: {  	_ =	shalt  }
0x65: {  	_ =	shalt  }
0x66: {  	_ =	shalt  }
0x67: {  	_ =	shalt  }
0x68: {  	_ =	shalt  }
0x69: {  	_ =	shalt  }
0x6a: {  	_ =	shalt  }
0x6b: {  	_ =	shalt  }
0x6c: {  	_ =	shalt  }
0x6d: {  	_ =	shalt  }
0x6e: {  	_ =	shalt  }
0x6f: {  	_ =	shalt  }
0x70: {  	_ =	shalt  }
0x71: {  	_ =	shalt  }
0x72: {  	_ =	shalt  }
0x73: {  	_ =	shalt  }
0x74: {  	_ =	shalt  }
0x75: {  	_ =	shalt  }
0x76: {  	_ =	shalt  }
0x77: {  	_ =	shalt  }
0x78: {  	_ =	shalt  }
0x79: {  	_ =	shalt  }
0x7a: {  	_ =	shalt  }
0x7b: {  	_ =	shalt  }
0x7c: {  	_ =	shalt  }
0x7d: {  	_ =	shalt  }
0x7e: {  	_ =	shalt  }
0x7f: {  	_ =	shalt  }
0x80: {  	_ =	shalt  }
0x81: {  	_ =	shalt  }
0x82: {  	_ =	shalt  }
0x83: {  	_ =	shalt  }
0x84: {  	_ =	shalt  }
0x85: {  	_ =	shalt  }
0x86: {  	_ =	shalt  }
0x87: {  	_ =	shalt  }
.Lfunc_end0:
.L_simem_size_0:
called_computation.1_lowered:
.L_overlay_start_0:
0x88: {  	s2 =	sld [smem:$0x3FD9]  }
0x89: {  	s3 =	sld [smem:$0x3FFE];
	_ =	sdelay $0x1  }
0x8a: {  	s1 =	srdreg.scid  }
0x8b: {  	s0 =	sand.u32 $0x1, s1  }
0x8c: {  	s17 =	sshll.u32 s0, $0xA;
	s2 =	sadd.s32 s3, s2  }
0x8d: {  	s2 =	sadd.s32 s2, s17  }
0x8e: {  	[smem:$0x3FC6] =	sst s2  }
0x8f: {  	_ = 	snop  }
0x90: {  	s2 =	sld [smem:$0x3FD0];
	(tm) =	ssettm $0x1  }
0x91: {  	s18 =	sld [smem:$0x3FFB];
	_ =	sdelay $0x3  }
0x92: {  	_ =	strace s18  }
0x93: {  	s3 =	sld [smem:$0x3FFC];
	_ =	sdelay $0x3  }
0x94: {  	_ =	strace s3  }
0x95: {  	s3 =	sld [smem:$0x3FFD];
	_ =	sdelay $0x3  }
0x96: {  	_ =	strace s3  }
0x97: {  	_ =	strace $0x8FFFFFFF  }
0x98: {  	s19 =	sld [smem:$0x3FDB];
	_ =	sdelay $0x1  }
0x99: {  	s4 =	simm.s32 $_scs_section_size  }
0x9a: {  	s5 =	simm.s32 $_size__tile_overlayer_lowered;
	s6 =	simm.s32 $_tile_overlayer_lowered  }
0x9b: {  	s22 =	simm.s32 $0x1BFF;
	s21 =	sshll.u32 s6, $0x1;
	s3 =	sadd.s32 s4, s19  }
0x9c: {  	s7 =	simm.s32 $0x0;
	s20 =	sshll.u32 s5, $0x1;
	s5 =	sadd.s32 s21, s3  }
0x9d: {  	[timem:s7], [sflag:s22] =	dma.local [hbm:s5], s20  }
0x9e: {  	_ =	swait.ge [sflag:s22], s20  }
0x9f: {  	s4 =	ssub.s32 $0x0, s20;
	[sflag:s22] =	ssyncset.done $0x0  }
0xa0: {  	[sflag:s22] =	ssyncadd.s32 s4;
	_ =	sdelay $0x1  }
0xa1: {  	s23 =	simm.s32 $0x1B8B  }
0xa2: {  	_ =	swait.ge [sflag:s23], $0x1  }
0xa3: {  	[sflag:s23] =	ssyncset.done $0x0  }
0xa4: {  	s25 =	simm.s32 $0x1B8E;
	s24 =	sld [smem:$0x3FFE];
	[sflag:s23] =	ssyncadd.s32 $0xFFFFFFFF  }
0xa5: {  	s26 =	simm.s32 $execute0_lowered;
	[smem:$0x3FD2] =	sst s25  }
0xa6: {  	s5 =	sshll.u32 s26, $0x1;
	_ =	strace $0x80000046;
	[dreg:$0x1] =	wrdreg $0xFFFFFFFF  }
0xa7: {  	s28 =	simm.s32 $_size_execute0_lowered;
	s3 =	sadd.s32 s3, s5;
	[dreg:$0x0] =	wrdreg $0x0  }
0xa8: {  	s5 =	sshll.u32 s28, $0x1;
	[dreg:$0x2] =	wrdreg s3  }
0xa9: {  	[dreg:$0x3] =	wrdreg s5  }
0xaa: {  	[dreg:$0x4] =	wrdreg $0xC0  }
0xab: {  	_ =	task [dreg:s7], $0x5FFFF  }
0xac: {  	[dreg:$0x1] =	wrdreg $0xFFFFFFFF  }
0xad: {  	[dreg:$0x0] =	wrdreg $0x60  }
0xae: {  	[dreg:$0x2] =	wrdreg s24  }
0xaf: {  	[dreg:$0x3] =	wrdreg s2  }
0xb0: {  	[dreg:$0x4] =	wrdreg $0x9  }
0xb1: {  	_ =	task.clear_ibuf [dreg:s7], $0x5FFFF;
	_ =	strace $0x90000046  }
0xb2: {  	s29 =	simm.s32 $0x9;
	_ =	strace $0x80000048  }
0xb3: {  	_ =	swait.ge [sflag:s29], $0x1  }
0xb4: {  	[sflag:s29] =	ssyncadd.s32 $0xFFFFFFFF  }
0xb5: {  	_ =	strace $0x90000048  }
0xb6: {  	_ =	sfence  }
0xb7: {  	s30 =	sld [smem:$0x0];
	_ =	sdelay $0x2  }
0xb8: {  	s31 =	sshll.u32 s1, $0xD;
	s1 =	sshrl.u32 s1, $0x2  }
0xb9: {  	s3 =	sand.u32 $0x4000, s31;
	s1 =	sadd.s32 s1, s30  }
0xba: {  	s0 =	sor.u32 s3, s0;
	s1 =	sshll.u32 s1, $0x11  }
0xbb: {  	s0 =	sor.u32 s1, s0  }
0xbc: {  	s0 =	sadd.s32 $0x8F2B, s0  }
0xbd: {  	[sflag:s0] =	ssyncadd.remote.s32 $0x1  }
0xbe: {  	_ =	sfence.sel $0xFFFF  }
0xbf: {  	[dreg:$0x0] =	wrdreg $0xFFFFFFFF;
	(pc) =	sbr.abs _section_cstart, $3  }
0xc0: {  	[dreg:$0x1] =	wrdreg $0xFFFFFFFF  }
0xc1: {  	_ =	task.clear_ibuf [dreg:s7], $0x2FFFF;
	_ =	strace $0x9FFFFFFF  }
0xc2: {  	(tm) =	ssettm $0x7FFFFFFF  }
0xc3: {  	_ =	shalt  }
tec
execute0_lowered:
.L_overlay_start_1:
0x0: {  	(tag) =	ssettag $0x1  }
0x1: {  	s1 =	rddreg [dreg:$0x0]  }
0x2: {  	s0 =	rddreg [dreg:$0x1]  }
0x3: {  	s3 =	srdreg.scid;
	s2 =	simm.s32 $0x0;
	s18 =	stileid.u32  }
0x4: {  	s31 =	simm.s32 $0x64;
	s29 =	simm.s32 $0x1;
	s30 =	simm.s32 $0x5  }
0x5: {  	s4 =	sand.u32 $0x1, s3;
	[smem:$0x7FF] =	sst s2;
	s7 =	smul.u32 $0x1A000, s18  }
0x6: {  	s10 =	sshll.u32 s18, $0xA;
	s3 =	sadd.s32 $0xF76C00, s1;
	s13 =	smul.u32 $0x3400, s18  }
0x7: {  	s1 =	sadd.s32 $0x800, s1;
	s5 =	sshll.u32 s4, $0x9;
	s11 =	smul.u32 $0xD000, s4  }
0x8: {  	s6 =	ssub.s32 $0x2, s4;
	s14 =	smul.u32 $0x1A00, s4;
	s5 =	sor.u32 s5, s10  }
0x9: {  	_ =	strace $0x80000047;
	s8 =	sshrl.u32 s6, $0x1;
	s5 =	smul.u32 $0xD, s5  }
0xa: {  	s4 =	smul.u32 $0x64000, s4;
	s15 =	sadd.s32 s13, s1;
	s6 =	ssub.s32 s6, s8  }
0xb: {  	s19 =	sadd.s32 s1, s5;
	s5 =	sadd.s32 s11, s7;
	s7 =	sadd.s32 s14, s15  }
0xc: {  	s12 =	sadd.s32 $0xD, s19;
	s9 =	sadd.s32 $0x1A, s19;
	s16 =	sor.u32 $0xC98, s5  }
0xd: {  	s10 =	sor.u32 $0xC30, s5;
	s21 =	sor.u32 $0xBC8, s5;
	s11 =	sor.u32 $0xB60, s5  }
0xe: {  	s13 =	sor.u32 $0xA90, s5;
	s14 =	sor.u32 $0xA28, s5;
	[dreg:$0x3] =	wrdreg s19  }
0xf: {  	s15 =	sor.u32 $0x958, s5;
	s25 =	sor.u32 $0x8F0, s5;
	[dreg:$0x4] =	wrdreg s12  }
0x10: {  	[dreg:$0x5] =	wrdreg s9;
	s8 =	sshrl.u32 s16, $0x3;
	s17 =	sshrl.u32 s10, $0x3  }
0x11: {  	s10 =	sshrl.u32 s21, $0x3;
	s12 =	sor.u32 $0xAF8, s5;
	s11 =	sshrl.u32 s11, $0x3  }
0x12: {  	s13 =	sshrl.u32 s13, $0x3;
	s14 =	sshrl.u32 s14, $0x3;
	s15 =	sshrl.u32 s15, $0x3  }
0x13: {  	s16 =	sor.u32 $0x888, s5;
	s9 =	sor.u32 $0x7B8, s5;
	s21 =	sadd.s32 $0x75, s19  }
0x14: {  	s8 =	sadd.s32 s8, s1;
	s20 =	sadd.s32 s17, s1;
	[dreg:$0x14] =	wrdreg s21  }
0x15: {  	s22 =	sadd.s32 s10, s1;
	s12 =	sshrl.u32 s12, $0x3;
	[dreg:$0x1b] =	wrdreg s8  }
0x16: {  	s23 =	sadd.s32 s11, s1;
	s13 =	sadd.s32 s13, s1;
	[dreg:$0x1c] =	wrdreg s20  }
0x17: {  	s14 =	sadd.s32 s14, s1;
	s15 =	sadd.s32 s15, s1;
	[dreg:$0x1d] =	wrdreg s22  }
0x18: {  	s17 =	sor.u32 $0x820, s5;
	s26 =	sshrl.u32 s16, $0x3;
	[dreg:$0x1e] =	wrdreg s23  }
0x19: {  	s5 =	sor.u32 $0x750, s5;
	s11 =	sadd.s32 $0x27, s19;
	[dreg:$0x6] =	wrdreg s15  }
0x1a: {  	s10 =	smul.u32 $0xC8000, s18;
	s16 =	smax.u32 s6, $0x1;
	[dreg:$0xc] =	wrdreg s11  }
0x1b: {  	s18 =	sadd.s32 $0x5B, s19;
	s6 =	simm.s32 $0x340;
	[dreg:$0x10] =	wrdreg s16  }
0x1c: {  	s21 =	simm.s32 $0x3A8;
	s24 =	sadd.s32 s12, s1;
	[dreg:$0x12] =	wrdreg s18  }
0x1d: {  	s15 =	sshrl.u32 s25, $0x3;
	s12 =	sadd.s32 $0x34, s19;
	[dreg:$0x1f] =	wrdreg s24  }
0x1e: {  	s28 =	sshrl.u32 s17, $0x3;
	s17 =	sadd.s32 $0x4E, s19;
	[dreg:$0xd] =	wrdreg s12  }
0x1f: {  	s5 =	sshrl.u32 s5, $0x3;
	s20 =	sadd.s32 $0x68, s19;
	[dreg:$0x11] =	wrdreg s17  }
0x20: {  	s22 =	sadd.s32 $0x82, s19;
	s23 =	sadd.s32 $0x8F, s19;
	[dreg:$0x13] =	wrdreg s20  }
0x21: {  	s25 =	sadd.s32 $0xA9, s19;
	s11 =	simm.s32 $0x680;
	[dreg:$0x15] =	wrdreg s22  }
0x22: {  	s16 =	simm.s32 $0x618;
	s18 =	simm.s32 $0xCE80;
	[dreg:$0x16] =	wrdreg s23  }
0x23: {  	s15 =	sadd.s32 s15, s1;
	s8 =	sadd.s32 s28, s1;
	[dreg:$0x18] =	wrdreg s25  }
0x24: {  	s0 =	sadd.s32 s10, s0;
	s24 =	sadd.s32 $0x9C, s19;
	[dreg:$0x7] =	wrdreg s15  }
0x25: {  	s28 =	sadd.s32 $0xC3, s19;
	s22 =	simm.s32 $0x548;
	[dreg:$0x9] =	wrdreg s8  }
0x26: {  	s17 =	simm.s32 $0x4;
	s20 =	simm.s32 $0x3;
	[dreg:$0x17] =	wrdreg s24  }
0x27: {  	s15 =	sadd.s32 s26, s1;
	s0 =	sadd.s32 s4, s0;
	[dreg:$0x1a] =	wrdreg s28  }
0x28: {  	s26 =	sadd.s32 $0xB6, s19;
	s4 =	simm.s32 $0x410;
	[dreg:$0x8] =	wrdreg s15  }
.Ltmp0:
0x29: {  	s15 =	sshrl.u32 s9, $0x3;
	[dreg:$0xe] =	wrdreg s0;
	(pc) =	sbr.rel .LBB2_1-.Ltmp0, $4  }
0x2a: {  	s8 =	simm.s32 $0x0;
	[dreg:$0x19] =	wrdreg s26;
	s15 =	sadd.s32 s15, s1  }
0x2b: {  	s1 =	sadd.s32 s5, s1;
	s5 =	simm.s32 $0x4E0;
	[dreg:$0xa] =	wrdreg s15  }
0x2c: {  	[dreg:$0xb] =	wrdreg s1;
	s15 =	sadd.s32 $0x41, s19;
	s1 =	simm.s32 $0x478  }
0x2d: {  	s19 =	simm.s32 $0x2;
	[dreg:$0xf] =	wrdreg s15;
	s15 =	simm.s32 $0x5B0  }
.LBB2_7:
0x2e: {  	s0 =	simm.s32 $0x6  }
0x2f: {  	_ =	swait.ge [sflag:s0], $0xC800  }
0x30: {  	s8 =	sld [smem:$0x7FD];
	_ =	sdelay $0x2  }
0x31: {  	s23 =	rddreg [dreg:$0x10];
	s8 =	sadd.s32 $0x1, s8  }
0x32: {  	p0 =	sne.s32 s8, s23  }
.Ltmp1:
0x33: {  	_ = 	snop;
	(pc) =	sbr.rel @!p0 .LBB2_8-.Ltmp1, $3  }
0x34: {  	_ =	sdelay $0x1  }
0x35: {  	[sflag:s0] =	ssyncset.done $0x0  }
0x36: {  	[sflag:s0] =	ssyncadd.s32 $0xFFFF3800  }
.LBB2_1:
0x37: {  	[smem:$0x7FD] =	sst s8  }
0x38: {  	s23 =	rddreg [dreg:$0x3];
	s24 =	simm.s32 $0x7  }
0x39: {  	[tilespmem:s2], [sflag:$0x7] =	stream.linear.gather [hbm4b:s23+s2], $0x68, $0x38;
	[tilespmem:$0x19680] =	vst v63  }
0x3a: {  	_ =	swait.ge [sflag:s24], $0x68  }
0x3b: {  	[sflag:s24] =	ssyncset.done $0x0  }
0x3c: {  	s25 =	simm.s32 $0x68;
	s26 =	rddreg [dreg:$0x4];
	[sflag:s24] =	ssyncadd.s32 $0xFFFFFF98  }
0x3d: {  	[tilespmem:s25], [sflag:$0x7] =	stream.linear.gather [hbm4b:s26+s2], $0x68, $0x38;
	[tilespmem:$0x19680] =	vst v63  }
0x3e: {  	_ =	swait.ge [sflag:s24], $0x68  }
0x3f: {  	[sflag:s24] =	ssyncset.done $0x0  }
0x40: {  	s26 =	simm.s32 $0xD0;
	s28 =	rddreg [dreg:$0x5];
	[sflag:s24] =	ssyncadd.s32 $0xFFFFFF98  }
0x41: {  	[tilespmem:s26], [sflag:$0x7] =	stream.linear.gather [hbm4b:s28+s2], $0x68, $0x38;
	[tilespmem:$0x19680] =	vst v63  }
0x42: {  	_ =	swait.ge [sflag:s24], $0x68  }
0x43: {  	[sflag:s24] =	ssyncset.done $0x0  }
0x44: {  	s28 =	simm.s32 $0x138;
	s0 =	rddreg [dreg:$0xc];
	[sflag:s24] =	ssyncadd.s32 $0xFFFFFF98  }
0x45: {  	[tilespmem:s28], [sflag:$0x7] =	stream.linear.gather [hbm4b:s0+s2], $0x68, $0x38;
	[tilespmem:$0x19680] =	vst v63  }
0x46: {  	_ =	swait.ge [sflag:s24], $0x68  }
0x47: {  	[sflag:s24] =	ssyncset.done $0x0  }
0x48: {  	s0 =	simm.s32 $0x1A0;
	s8 =	rddreg [dreg:$0xd];
	[sflag:s24] =	ssyncadd.s32 $0xFFFFFF98  }
0x49: {  	[tilespmem:s0], [sflag:$0x7] =	stream.linear.gather [hbm4b:s8+s2], $0x68, $0x38;
	[tilespmem:$0x19680] =	vst v63  }
0x4a: {  	_ =	swait.ge [sflag:s24], $0x68  }
0x4b: {  	[sflag:s24] =	ssyncset.done $0x0  }
0x4c: {  	s8 =	simm.s32 $0x208;
	s9 =	rddreg [dreg:$0xf];
	[sflag:s24] =	ssyncadd.s32 $0xFFFFFF98  }
0x4d: {  	[tilespmem:s8], [sflag:$0x7] =	stream.linear.gather [hbm4b:s9+s2], $0x68, $0x38;
	[tilespmem:$0x19680] =	vst v63  }
0x4e: {  	_ =	swait.ge [sflag:s24], $0x68  }
0x4f: {  	[sflag:s24] =	ssyncset.done $0x0  }
0x50: {  	s9 =	simm.s32 $0x270;
	s10 =	rddreg [dreg:$0x11];
	[sflag:s24] =	ssyncadd.s32 $0xFFFFFF98  }
0x51: {  	[tilespmem:s9], [sflag:$0x7] =	stream.linear.gather [hbm4b:s10+s2], $0x68, $0x38;
	[tilespmem:$0x19680] =	vst v63  }
0x52: {  	_ =	swait.ge [sflag:s24], $0x68  }
0x53: {  	[sflag:s24] =	ssyncset.done $0x0  }
0x54: {  	s10 =	simm.s32 $0x2D8;
	s12 =	rddreg [dreg:$0x12];
	[sflag:s24] =	ssyncadd.s32 $0xFFFFFF98  }
0x55: {  	[tilespmem:s10], [sflag:$0x7] =	stream.linear.gather [hbm4b:s12+s2], $0x68, $0x38;
	[tilespmem:$0x19680] =	vst v63  }
0x56: {  	_ =	swait.ge [sflag:s24], $0x68  }
0x57: {  	[sflag:s24] =	ssyncset.done $0x0  }
0x58: {  	[sflag:s24] =	ssyncadd.s32 $0xFFFFFF98  }
0x59: {  	[tilespmem:s11], [sflag:$0x1] =	stream.indirect.gather [hbm4b:s3+s31], $0x40, s2, s31, $0xb8;
	[tilespmem:$0x19680] =	vst v63  }
0x5a: {  	s12 =	simm.s32 $0x1F80  }
0x5b: {  	[tilespmem:s12], [sflag:$0x1] =	stream.indirect.gather [hbm4b:s3+s31], $0x40, s25, s31, $0xb8;
	[tilespmem:$0x19680] =	vst v63  }
0x5c: {  	s25 =	simm.s32 $0x3880  }
0x5d: {  	[tilespmem:s25], [sflag:$0x1] =	stream.indirect.gather [hbm4b:s3+s31], $0x40, s26, s31, $0xb8;
	[tilespmem:$0x19680] =	vst v63  }
0x5e: {  	s23 =	simm.s32 $0x5180  }
0x5f: {  	[tilespmem:s23], [sflag:$0x1] =	stream.indirect.gather [hbm4b:s3+s31], $0x40, s28, s31, $0xb8;
	[tilespmem:$0x19680] =	vst v63  }
0x60: {  	s24 =	simm.s32 $0x6A80  }
0x61: {  	[tilespmem:s24], [sflag:$0x1] =	stream.indirect.gather [hbm4b:s3+s31], $0x40, s0, s31, $0xb8;
	[tilespmem:$0x19680] =	vst v63  }
0x62: {  	s25 =	simm.s32 $0x8380  }
0x63: {  	[tilespmem:s25], [sflag:$0x1] =	stream.indirect.gather [hbm4b:s3+s31], $0x40, s8, s31, $0xb8;
	[tilespmem:$0x19680] =	vst v63  }
0x64: {  	s26 =	simm.s32 $0x9C80  }
0x65: {  	[tilespmem:s26], [sflag:$0x1] =	stream.indirect.gather [hbm4b:s3+s31], $0x40, s9, s31, $0xb8;
	[tilespmem:$0x19680] =	vst v63  }
0x66: {  	s12 =	rddreg [dreg:$0x16];
	s28 =	simm.s32 $0xB580  }
0x67: {  	[tilespmem:s28], [sflag:$0x1] =	stream.indirect.gather [hbm4b:s3+s31], $0x40, s10, s31, $0xb8;
	[tilespmem:$0x19680] =	vst v63  }
0x68: {  	s8 =	rddreg [dreg:$0x13]  }
0x69: {  	[tilespmem:s6], [sflag:$0x4] =	stream.linear.gather [hbm4b:s8+s2], $0x68, $0x38;
	[tilespmem:$0x19680] =	vst v63  }
0x6a: {  	s9 =	rddreg [dreg:$0x14]  }
0x6b: {  	[tilespmem:s21], [sflag:$0x4] =	stream.linear.gather [hbm4b:s9+s2], $0x68, $0x38;
	[tilespmem:$0x19680] =	vst v63  }
0x6c: {  	s10 =	rddreg [dreg:$0x15]  }
0x6d: {  	[tilespmem:s4], [sflag:$0x4] =	stream.linear.gather [hbm4b:s10+s2], $0x68, $0x38;
	[tilespmem:$0x19680] =	vst v63  }
0x6e: {  	s24 =	rddreg [dreg:$0x17]  }
0x6f: {  	[tilespmem:s1], [sflag:$0x4] =	stream.linear.gather [hbm4b:s12+s2], $0x68, $0x38;
	[tilespmem:$0x19680] =	vst v63  }
0x70: {  	s25 =	rddreg [dreg:$0x18]  }
0x71: {  	[tilespmem:s5], [sflag:$0x4] =	stream.linear.gather [hbm4b:s24+s2], $0x68, $0x38;
	[tilespmem:$0x19680] =	vst v63  }
0x72: {  	s26 =	rddreg [dreg:$0x19]  }
0x73: {  	[tilespmem:s22], [sflag:$0x4] =	stream.linear.gather [hbm4b:s25+s2], $0x68, $0x38;
	[tilespmem:$0x19680] =	vst v63  }
0x74: {  	s28 =	rddreg [dreg:$0x1a]  }
0x75: {  	[tilespmem:s15], [sflag:$0x4] =	stream.linear.gather [hbm4b:s26+s2], $0x68, $0x38;
	[tilespmem:$0x19680] =	vst v63  }
0x76: {  	s24 =	rddreg [dreg:$0xe];
	s25 =	simm.s32 $0x0  }
0x77: {  	[tilespmem:s16], [sflag:$0x4] =	stream.linear.gather [hbm4b:s28+s2], $0x68, $0x38;
	[tilespmem:$0x19680] =	vst v63  }
.LBB2_2:
0x78: {  	_ =	swait.ge [sflag:s17], $0x68  }
0x79: {  	[sflag:s17] =	ssyncset.done $0x0  }
0x7a: {  	[sflag:s17] =	ssyncadd.s32 $0xFFFFFF98  }
0x7b: {  	_ =	swait.ge [sflag:s17], $0x68  }
0x7c: {  	[sflag:s17] =	ssyncset.done $0x0  }
0x7d: {  	[sflag:s17] =	ssyncadd.s32 $0xFFFFFF98  }
0x7e: {  	_ =	swait.ge [sflag:s17], $0x68  }
0x7f: {  	[sflag:s17] =	ssyncset.done $0x0  }
0x80: {  	[sflag:s17] =	ssyncadd.s32 $0xFFFFFF98  }
0x81: {  	_ =	swait.ge [sflag:s17], $0x68  }
0x82: {  	[sflag:s17] =	ssyncset.done $0x0  }
0x83: {  	[sflag:s17] =	ssyncadd.s32 $0xFFFFFF98  }
0x84: {  	_ =	swait.ge [sflag:s17], $0x68  }
0x85: {  	[sflag:s17] =	ssyncset.done $0x0  }
0x86: {  	[sflag:s17] =	ssyncadd.s32 $0xFFFFFF98  }
0x87: {  	_ =	swait.ge [sflag:s17], $0x68  }
0x88: {  	[sflag:s17] =	ssyncset.done $0x0  }
0x89: {  	[sflag:s17] =	ssyncadd.s32 $0xFFFFFF98  }
0x8a: {  	_ =	swait.ge [sflag:s17], $0x68  }
0x8b: {  	[sflag:s17] =	ssyncset.done $0x0  }
0x8c: {  	[sflag:s17] =	ssyncadd.s32 $0xFFFFFF98  }
0x8d: {  	_ =	swait.ge [sflag:s17], $0x68  }
0x8e: {  	p0 =	seq.s32 s25, $0x0;
	[sflag:s17] =	ssyncset.done $0x0  }
0x8f: {  	s26 =	simm.s32 @!p0 $0x6;
	[sflag:s17] =	ssyncadd.s32 $0xFFFFFF98  }
0x90: {  	_ =	swait.ge @!p0 [sflag:s26], $0xC800  }
0x91: {  	[sflag:s26] =	ssyncset.done @!p0 $0x0  }
0x92: {  	[sflag:s26] =	ssyncadd.s32 @!p0 $0xFFFF3800  }
0x93: {  	[tilespmem:s18], [sflag:$0x2] =	stream.indirect.gather [hbm4b:s3+s31], $0x40, s6, s31, $0xb8;
	[tilespmem:$0x19680] =	vst v63  }
0x94: {  	s0 =	simm.s32 $0xE780  }
0x95: {  	[tilespmem:s0], [sflag:$0x2] =	stream.indirect.gather [hbm4b:s3+s31], $0x40, s21, s31, $0xb8;
	[tilespmem:$0x19680] =	vst v63  }
0x96: {  	s9 =	simm.s32 $0x10080  }
0x97: {  	[tilespmem:s9], [sflag:$0x2] =	stream.indirect.gather [hbm4b:s3+s31], $0x40, s4, s31, $0xb8;
	[tilespmem:$0x19680] =	vst v63  }
0x98: {  	s10 =	simm.s32 $0x11980  }
0x99: {  	[tilespmem:s10], [sflag:$0x2] =	stream.indirect.gather [hbm4b:s3+s31], $0x40, s1, s31, $0xb8;
	[tilespmem:$0x19680] =	vst v63  }
0x9a: {  	s12 =	simm.s32 $0x13280  }
0x9b: {  	[tilespmem:s12], [sflag:$0x2] =	stream.indirect.gather [hbm4b:s3+s31], $0x40, s5, s31, $0xb8;
	[tilespmem:$0x19680] =	vst v63  }
0x9c: {  	s23 =	simm.s32 $0x14B80  }
0x9d: {  	[tilespmem:s23], [sflag:$0x2] =	stream.indirect.gather [hbm4b:s3+s31], $0x40, s22, s31, $0xb8;
	[tilespmem:$0x19680] =	vst v63  }
0x9e: {  	s26 =	simm.s32 $0x16480  }
0x9f: {  	[tilespmem:s26], [sflag:$0x2] =	stream.indirect.gather [hbm4b:s3+s31], $0x40, s15, s31, $0xb8;
	[tilespmem:$0x19680] =	vst v63  }
0xa0: {  	s28 =	simm.s32 $0x17D80  }
0xa1: {  	[tilespmem:s28], [sflag:$0x2] =	stream.indirect.gather [hbm4b:s3+s31], $0x40, s16, s31, $0xb8;
	[tilespmem:$0x19680] =	vst v63  }
0xa2: {  	_ =	swait.ge [sflag:s29], $0x1900  }
0xa3: {  	[sflag:s29] =	ssyncset.done $0x0  }
0xa4: {  	[sflag:s29] =	ssyncadd.s32 $0xFFFFE700  }
0xa5: {  	_ =	swait.ge [sflag:s29], $0x1900  }
0xa6: {  	[sflag:s29] =	ssyncset.done $0x0  }
0xa7: {  	[sflag:s29] =	ssyncadd.s32 $0xFFFFE700  }
0xa8: {  	_ =	swait.ge [sflag:s29], $0x1900  }
0xa9: {  	[sflag:s29] =	ssyncset.done $0x0  }
0xaa: {  	[sflag:s29] =	ssyncadd.s32 $0xFFFFE700  }
0xab: {  	_ =	swait.ge [sflag:s29], $0x1900  }
0xac: {  	[sflag:s29] =	ssyncset.done $0x0  }
0xad: {  	[sflag:s29] =	ssyncadd.s32 $0xFFFFE700  }
0xae: {  	_ =	swait.ge [sflag:s29], $0x1900  }
0xaf: {  	[sflag:s29] =	ssyncset.done $0x0  }
0xb0: {  	[sflag:s29] =	ssyncadd.s32 $0xFFFFE700  }
0xb1: {  	_ =	swait.ge [sflag:s29], $0x1900  }
0xb2: {  	[sflag:s29] =	ssyncset.done $0x0  }
0xb3: {  	[sflag:s29] =	ssyncadd.s32 $0xFFFFE700  }
0xb4: {  	_ =	swait.ge [sflag:s29], $0x1900  }
0xb5: {  	p0 =	seq.s32 s25, $0x1930;
	[sflag:s29] =	ssyncset.done $0x0  }
.Ltmp2:
0xb6: {  	[sflag:s29] =	ssyncadd.s32 $0xFFFFE700;
	(pc) =	sbr.rel @!p0 .LBB2_3-.Ltmp2, $4  }
0xb7: {  	_ =	swait.ge [sflag:s29], $0x1900  }
0xb8: {  	[sflag:s29] =	ssyncset.done $0x0  }
0xb9: {  	[sflag:s29] =	ssyncadd.s32 $0xFFFFE700  }
0xba: {  	[hbm4b:s24+s2] =	stream.linear.scatter [tilespmem:s11], [sflag:$0x5], $0xC800, $0x38;
	[tilespmem:$0x19680] =	vst v63  }
.Ltmp3:
0xbb: {  	(pc) =	sbr.rel .LBB2_5-.Ltmp3, $4  }
0xbc: {  	_ = 	snop  }
0xbd: {  	_ =	swait.ge [sflag:s30], $0xC800  }
0xbe: {  	[sflag:s30] =	ssyncset.done $0x0  }
0xbf: {  	[sflag:s30] =	ssyncadd.s32 $0xFFFF3800  }
.LBB2_3:
0xc0: {  	s26 =	sadd.s32 s25, s7  }
0xc1: {  	s23 =	sadd.s32 $0xD0, s26  }
0xc2: {  	[tilespmem:s2], [sflag:$0x3] =	stream.linear.gather [hbm4b:s23+s2], $0x68, $0x38;
	[tilespmem:$0x19680] =	vst v63  }
0xc3: {  	s0 =	rddreg [dreg:$0xb];
	s28 =	sadd.s32 $0xDD, s26;
	s26 =	simm.s32 $0x68  }
0xc4: {  	[tilespmem:s26], [sflag:$0x3] =	stream.linear.gather [hbm4b:s28+s2], $0x68, $0x38;
	[tilespmem:$0x19680] =	vst v63  }
0xc5: {  	s8 =	rddreg [dreg:$0xa];
	s23 =	sadd.s32 s25, s0;
	s28 =	simm.s32 $0xD0  }
0xc6: {  	[tilespmem:s28], [sflag:$0x3] =	stream.linear.gather [hbm4b:s23+s2], $0x68, $0x38;
	[tilespmem:$0x19680] =	vst v63  }
0xc7: {  	s9 =	rddreg [dreg:$0x9];
	s0 =	simm.s32 $0x138;
	s23 =	sadd.s32 s25, s8  }
0xc8: {  	[tilespmem:s0], [sflag:$0x3] =	stream.linear.gather [hbm4b:s23+s2], $0x68, $0x38;
	[tilespmem:$0x19680] =	vst v63  }
0xc9: {  	s10 =	rddreg [dreg:$0x8];
	s8 =	simm.s32 $0x1A0;
	s23 =	sadd.s32 s25, s9  }
0xca: {  	[tilespmem:s8], [sflag:$0x3] =	stream.linear.gather [hbm4b:s23+s2], $0x68, $0x38;
	[tilespmem:$0x19680] =	vst v63  }
0xcb: {  	s11 =	rddreg [dreg:$0x7];
	s9 =	simm.s32 $0x208;
	s23 =	sadd.s32 s25, s10  }
0xcc: {  	[tilespmem:s9], [sflag:$0x3] =	stream.linear.gather [hbm4b:s23+s2], $0x68, $0x38;
	[tilespmem:$0x19680] =	vst v63  }
0xcd: {  	s12 =	rddreg [dreg:$0x6];
	s10 =	simm.s32 $0x270;
	s23 =	sadd.s32 s25, s11  }
0xce: {  	[tilespmem:s10], [sflag:$0x3] =	stream.linear.gather [hbm4b:s23+s2], $0x68, $0x38;
	[tilespmem:$0x19680] =	vst v63  }
0xcf: {  	s11 =	simm.s32 $0x2D8;
	s23 =	sadd.s32 s25, s12  }
0xd0: {  	[tilespmem:s11], [sflag:$0x3] =	stream.linear.gather [hbm4b:s23+s2], $0x68, $0x38;
	[tilespmem:$0x19680] =	vst v63  }
0xd1: {  	_ =	swait.ge [sflag:s20], $0x68  }
0xd2: {  	[sflag:s20] =	ssyncset.done $0x0  }
0xd3: {  	[sflag:s20] =	ssyncadd.s32 $0xFFFFFF98  }
0xd4: {  	_ =	swait.ge [sflag:s20], $0x68  }
0xd5: {  	[sflag:s20] =	ssyncset.done $0x0  }
0xd6: {  	[sflag:s20] =	ssyncadd.s32 $0xFFFFFF98  }
0xd7: {  	_ =	swait.ge [sflag:s20], $0x68  }
0xd8: {  	[sflag:s20] =	ssyncset.done $0x0  }
0xd9: {  	[sflag:s20] =	ssyncadd.s32 $0xFFFFFF98  }
0xda: {  	_ =	swait.ge [sflag:s20], $0x68  }
0xdb: {  	[sflag:s20] =	ssyncset.done $0x0  }
0xdc: {  	[sflag:s20] =	ssyncadd.s32 $0xFFFFFF98  }
0xdd: {  	_ =	swait.ge [sflag:s20], $0x68  }
0xde: {  	[sflag:s20] =	ssyncset.done $0x0  }
0xdf: {  	[sflag:s20] =	ssyncadd.s32 $0xFFFFFF98  }
0xe0: {  	_ =	swait.ge [sflag:s20], $0x68  }
0xe1: {  	[sflag:s20] =	ssyncset.done $0x0  }
0xe2: {  	[sflag:s20] =	ssyncadd.s32 $0xFFFFFF98  }
0xe3: {  	_ =	swait.ge [sflag:s20], $0x68  }
0xe4: {  	[sflag:s20] =	ssyncset.done $0x0  }
0xe5: {  	[sflag:s20] =	ssyncadd.s32 $0xFFFFFF98  }
0xe6: {  	_ =	swait.ge [sflag:s20], $0x68  }
0xe7: {  	[sflag:s20] =	ssyncset.done $0x0  }
0xe8: {  	[sflag:s20] =	ssyncadd.s32 $0xFFFFFF98  }
0xe9: {  	_ =	swait.ge [sflag:s30], $0xC800  }
0xea: {  	[sflag:s30] =	ssyncset.done $0x0  }
0xeb: {  	s12 =	simm.s32 $0x680;
	[sflag:s30] =	ssyncadd.s32 $0xFFFF3800  }
0xec: {  	[tilespmem:s12], [sflag:$0x1] =	stream.indirect.gather [hbm4b:s3+s31], $0x40, s2, s31, $0xb8;
	[tilespmem:$0x19680] =	vst v63  }
0xed: {  	s23 =	simm.s32 $0x1F80  }
0xee: {  	[tilespmem:s23], [sflag:$0x1] =	stream.indirect.gather [hbm4b:s3+s31], $0x40, s26, s31, $0xb8;
	[tilespmem:$0x19680] =	vst v63  }
0xef: {  	s26 =	simm.s32 $0x3880  }
0xf0: {  	[tilespmem:s26], [sflag:$0x1] =	stream.indirect.gather [hbm4b:s3+s31], $0x40, s28, s31, $0xb8;
	[tilespmem:$0x19680] =	vst v63  }
0xf1: {  	s28 =	simm.s32 $0x5180  }
0xf2: {  	[tilespmem:s28], [sflag:$0x1] =	stream.indirect.gather [hbm4b:s3+s31], $0x40, s0, s31, $0xb8;
	[tilespmem:$0x19680] =	vst v63  }
0xf3: {  	s12 =	simm.s32 $0x6A80  }
0xf4: {  	[tilespmem:s12], [sflag:$0x1] =	stream.indirect.gather [hbm4b:s3+s31], $0x40, s8, s31, $0xb8;
	[tilespmem:$0x19680] =	vst v63  }
0xf5: {  	s23 =	simm.s32 $0x8380  }
0xf6: {  	[tilespmem:s23], [sflag:$0x1] =	stream.indirect.gather [hbm4b:s3+s31], $0x40, s9, s31, $0xb8;
	[tilespmem:$0x19680] =	vst v63  }
0xf7: {  	s26 =	simm.s32 $0x9C80  }
0xf8: {  	[tilespmem:s26], [sflag:$0x1] =	stream.indirect.gather [hbm4b:s3+s31], $0x40, s10, s31, $0xb8;
	[tilespmem:$0x19680] =	vst v63  }
0xf9: {  	s28 =	simm.s32 $0xB580  }
0xfa: {  	[tilespmem:s28], [sflag:$0x1] =	stream.indirect.gather [hbm4b:s3+s31], $0x40, s11, s31, $0xb8;
	[tilespmem:$0x19680] =	vst v63  }
0xfb: {  	s11 =	simm.s32 $0x680  }
.LBB2_5:
0xfc: {  	_ =	swait.ge [sflag:s19], $0x1900  }
0xfd: {  	[sflag:s19] =	ssyncset.done $0x0  }
0xfe: {  	[sflag:s19] =	ssyncadd.s32 $0xFFFFE700  }
0xff: {  	_ =	swait.ge [sflag:s19], $0x1900  }
0x100: {  	[sflag:s19] =	ssyncset.done $0x0  }
0x101: {  	[sflag:s19] =	ssyncadd.s32 $0xFFFFE700  }
0x102: {  	_ =	swait.ge [sflag:s19], $0x1900  }
0x103: {  	[sflag:s19] =	ssyncset.done $0x0  }
0x104: {  	[sflag:s19] =	ssyncadd.s32 $0xFFFFE700  }
0x105: {  	_ =	swait.ge [sflag:s19], $0x1900  }
0x106: {  	[sflag:s19] =	ssyncset.done $0x0  }
0x107: {  	[sflag:s19] =	ssyncadd.s32 $0xFFFFE700  }
0x108: {  	_ =	swait.ge [sflag:s19], $0x1900  }
0x109: {  	[sflag:s19] =	ssyncset.done $0x0  }
0x10a: {  	[sflag:s19] =	ssyncadd.s32 $0xFFFFE700  }
0x10b: {  	_ =	swait.ge [sflag:s19], $0x1900  }
0x10c: {  	[sflag:s19] =	ssyncset.done $0x0  }
0x10d: {  	[sflag:s19] =	ssyncadd.s32 $0xFFFFE700  }
0x10e: {  	_ =	swait.ge [sflag:s19], $0x1900  }
0x10f: {  	[sflag:s19] =	ssyncset.done $0x0  }
.Ltmp4:
0x110: {  	[sflag:s19] =	ssyncadd.s32 $0xFFFFE700;
	(pc) =	sbr.rel @p0 .LBB2_7-.Ltmp4, $4  }
0x111: {  	_ =	swait.ge [sflag:s19], $0x1900  }
0x112: {  	[sflag:s19] =	ssyncset.done $0x0  }
0x113: {  	s23 =	sadd.s32 $0x1900, s24;
	[sflag:s19] =	ssyncadd.s32 $0xFFFFE700  }
0x114: {  	[hbm4b:s23+s2] =	stream.linear.scatter [tilespmem:s18], [sflag:$0x6], $0xC800, $0x38;
	[tilespmem:$0x19680] =	vst v63  }
0x115: {  	s23 =	sadd.s32 s25, s7  }
0x116: {  	s23 =	sadd.s32 $0x138, s23  }
0x117: {  	[tilespmem:s6], [sflag:$0x4] =	stream.linear.gather [hbm4b:s23+s2], $0x68, $0x38;
	[tilespmem:$0x19680] =	vst v63  }
0x118: {  	s10 =	sadd.s32 s25, s14  }
0x119: {  	[tilespmem:s21], [sflag:$0x4] =	stream.linear.gather [hbm4b:s10+s2], $0x68, $0x38;
	[tilespmem:$0x19680] =	vst v63  }
0x11a: {  	s12 =	sadd.s32 s25, s13;
	s0 =	rddreg [dreg:$0x1f]  }
0x11b: {  	[tilespmem:s4], [sflag:$0x4] =	stream.linear.gather [hbm4b:s12+s2], $0x68, $0x38;
	[tilespmem:$0x19680] =	vst v63  }
0x11c: {  	s28 =	rddreg [dreg:$0x1e];
	s26 =	sadd.s32 s25, s0  }
0x11d: {  	[tilespmem:s1], [sflag:$0x4] =	stream.linear.gather [hbm4b:s26+s2], $0x68, $0x38;
	[tilespmem:$0x19680] =	vst v63  }
0x11e: {  	s8 =	rddreg [dreg:$0x1d];
	s0 =	sadd.s32 s25, s28  }
0x11f: {  	[tilespmem:s5], [sflag:$0x4] =	stream.linear.gather [hbm4b:s0+s2], $0x68, $0x38;
	[tilespmem:$0x19680] =	vst v63  }
0x120: {  	s9 =	sadd.s32 s25, s8  }
0x121: {  	[tilespmem:s22], [sflag:$0x4] =	stream.linear.gather [hbm4b:s9+s2], $0x68, $0x38;
	[tilespmem:$0x19680] =	vst v63  }
.Ltmp5:
0x122: {  	s10 =	rddreg [dreg:$0x1c];
	(pc) =	sbr.rel .LBB2_2-.Ltmp5, $4  }
0x123: {  	s12 =	sadd.s32 s25, s10;
	s26 =	rddreg [dreg:$0x1b]  }
0x124: {  	[tilespmem:s15], [sflag:$0x4] =	stream.linear.gather [hbm4b:s12+s2], $0x68, $0x38;
	[tilespmem:$0x19680] =	vst v63  }
0x125: {  	s24 =	sadd.s32 $0x3200, s24;
	s28 =	sadd.s32 s25, s26;
	s25 =	sadd.s32 $0xD0, s25  }
0x126: {  	[tilespmem:s16], [sflag:$0x4] =	stream.linear.gather [hbm4b:s28+s2], $0x68, $0x38;
	[tilespmem:$0x19680] =	vst v63  }
.LBB2_8:
0x127: {  	_ =	sfence.sel $0x180000  }
0x128: {  	[bflag:$0x0] =	sbarrier.arrive $0xFFFF  }
0x129: {  	_ =	strace $0x90000047  }
0x12a: {  	s0 =	stileid.u32;
	[bflag:$0x2] =	sbarrier.arrive $0xFFFF  }
0x12b: {  	p0 =	sne.s32 s0, $0x0;
	s0 =	rddreg [dreg:$0x2]  }
0x12c: {  	s0 =	sadd.s32 @!p0 $0x100000, s0  }
0x12d: {  	[sflag:s0] =	ssyncadd.tile.s32 @!p0 $0x1;
	_ =	shalt  }
.Lfunc_end2:
_tile_overlayer_lowered:
.L_overlay_start_2:
0x12e: {  	(tag) =	ssettag $0x2  }
0x12f: {  	s0 =	rddreg [dreg:$0x0];
	s2 =	stileid.u32  }
0x130: {  	s1 =	rddreg [dreg:$0x1];
	p0 =	sne.s32 s2, $0x0  }
0x131: {  	s3 =	rddreg [dreg:$0x2];
	[bflag:$0x3] =	sbarrier.arrive $0xFFFF;
	s2 =	simm.s32 @!p0 $0x1C07  }
0x132: {  	[timem:s3], [sflag:s2] =	dma.local @!p0 [hbm:s0], s1  }
0x133: {  	s0 =	simm.s32 @!p0 $0x7  }
0x134: {  	_ =	swait.ge @!p0 [sflag:s0], s1  }
0x135: {  	s1 =	ssub.s32 @!p0 $0x0, s1;
	[sflag:s0] =	ssyncset.done @!p0 $0x0  }
0x136: {  	[sflag:s0] =	ssyncadd.s32 @!p0 s1  }
0x137: {  	[bflag:$0x3] =	sbarrier.arrive $0xFFFF  }
0x138: {  	_ =	shalt  }

// kernel: sparse-core-data-format-call.cloned.1.call-start
scs
called_computation_lowered:
.L_overlay_start_0:
0x0: {  	s2 =	sld [smem:$0x3FD9]  }
0x1: {  	s3 =	sld [smem:$0x3FFE];
	_ =	sdelay $0x1  }
0x2: {  	s1 =	srdreg.scid  }
0x3: {  	s0 =	sand.u32 $0x1, s1  }
0x4: {  	s18 =	sshll.u32 s0, $0xA;
	s2 =	sadd.s32 s3, s2  }
0x5: {  	s2 =	sadd.s32 s2, s18  }
0x6: {  	[smem:$0x3FC6] =	sst s2  }
0x7: {  	_ = 	snop  }
0x8: {  	s2 =	sld [smem:$0x3FD0];
	(tm) =	ssettm $0x1  }
0x9: {  	s19 =	sld [smem:$0x3FFB];
	_ =	sdelay $0x3  }
0xa: {  	_ =	strace s19  }
0xb: {  	s3 =	sld [smem:$0x3FFC];
	_ =	sdelay $0x3  }
0xc: {  	_ =	strace s3  }
0xd: {  	s3 =	sld [smem:$0x3FFD];
	_ =	sdelay $0x3  }
0xe: {  	_ =	strace s3  }
0xf: {  	_ =	strace $0x8FFFFFFF  }
0x10: {  	s20 =	sld [smem:$0x3FDB];
	_ =	sdelay $0x1  }
0x11: {  	s4 =	simm.s32 $_scs_section_size  }
0x12: {  	s5 =	simm.s32 $_size__tile_overlayer_lowered;
	s6 =	simm.s32 $_tile_overlayer_lowered  }
0x13: {  	s23 =	simm.s32 $0x1BFF;
	s22 =	sshll.u32 s6, $0x1;
	s3 =	sadd.s32 s4, s20  }
0x14: {  	s7 =	simm.s32 $0x0;
	s21 =	sshll.u32 s5, $0x1;
	s5 =	sadd.s32 s22, s3  }
0x15: {  	[timem:s7], [sflag:s23] =	dma.local [hbm:s5], s21  }
0x16: {  	_ =	swait.ge [sflag:s23], s21  }
0x17: {  	s4 =	ssub.s32 $0x0, s21;
	[sflag:s23] =	ssyncset.done $0x0  }
0x18: {  	[sflag:s23] =	ssyncadd.s32 s4;
	_ =	sdelay $0x1  }
0x19: {  	s24 =	simm.s32 $0x1B8B  }
0x1a: {  	_ =	swait.ge [sflag:s24], $0x1  }
0x1b: {  	[sflag:s24] =	ssyncset.done $0x0  }
0x1c: {  	s26 =	simm.s32 $0x1B8E;
	s25 =	sld [smem:$0x3FFE];
	[sflag:s24] =	ssyncadd.s32 $0xFFFFFFFF  }
0x1d: {  	s27 =	simm.s32 $execute0_lowered;
	[smem:$0x3FD2] =	sst s26  }
0x1e: {  	s5 =	sshll.u32 s27, $0x1;
	_ =	strace $0x80000049;
	[dreg:$0x1] =	wrdreg $0xFFFFFFFF  }
0x1f: {  	s28 =	simm.s32 $_size_execute0_lowered;
	s3 =	sadd.s32 s3, s5;
	[dreg:$0x0] =	wrdreg $0x0  }
0x20: {  	s5 =	sshll.u32 s28, $0x1;
	[dreg:$0x2] =	wrdreg s3  }
0x21: {  	[dreg:$0x3] =	wrdreg s5  }
0x22: {  	[dreg:$0x4] =	wrdreg $0xC0  }
0x23: {  	_ =	task [dreg:s7], $0x5FFFF  }
0x24: {  	[dreg:$0x1] =	wrdreg $0xFFFFFFFF  }
0x25: {  	[dreg:$0x0] =	wrdreg $0x60  }
0x26: {  	[dreg:$0x2] =	wrdreg s25  }
0x27: {  	[dreg:$0x3] =	wrdreg s2  }
0x28: {  	[dreg:$0x4] =	wrdreg $0x9  }
0x29: {  	_ =	task.clear_ibuf [dreg:s7], $0x5FFFF;
	_ =	strace $0x90000049  }
0x2a: {  	s29 =	simm.s32 $0x9;
	_ =	strace $0x8000004B  }
0x2b: {  	_ =	swait.ge [sflag:s29], $0x1  }
0x2c: {  	[sflag:s29] =	ssyncadd.s32 $0xFFFFFFFF  }
0x2d: {  	_ =	strace $0x9000004B  }
0x2e: {  	_ =	sfence  }
0x2f: {  	s30 =	sld [smem:$0x0];
	_ =	sdelay $0x2  }
0x30: {  	s31 =	sshll.u32 s1, $0xD;
	s1 =	sshrl.u32 s1, $0x2  }
0x31: {  	s3 =	sand.u32 $0x4000, s31;
	s1 =	sadd.s32 s1, s30  }
0x32: {  	s0 =	sor.u32 s3, s0;
	s1 =	sshll.u32 s1, $0x11  }
0x33: {  	s0 =	sor.u32 s1, s0  }
0x34: {  	s0 =	sadd.s32 $0x8F2B, s0  }
0x35: {  	[sflag:s0] =	ssyncadd.remote.s32 $0x1  }
0x36: {  	_ =	sfence.sel $0xFFFF  }
0x37: {  	[dreg:$0x0] =	wrdreg $0xFFFFFFFF;
	(pc) =	sbr.abs _section_cstart, $3  }
0x38: {  	[dreg:$0x1] =	wrdreg $0xFFFFFFFF  }
0x39: {  	_ =	task.clear_ibuf [dreg:s7], $0x2FFFF;
	_ =	strace $0x9FFFFFFF  }
0x3a: {  	(tm) =	ssettm $0x7FFFFFFF  }
0x3b: {  	_ =	shalt  }
tec
execute0_lowered:
.L_overlay_start_1:
0x0: {  	(tag) =	ssettag $0x1  }
0x1: {  	s0 =	srdreg.scid  }
0x2: {  	s1 =	sshll.u32 s0, $0x4  }
0x3: {  	s0 =	stileid.u32;
	s1 =	sand.u32 $0x10, s1  }
0x4: {  	s1 =	sor.u32 s0, s1  }
0x5: {  	s6 =	rddreg [dreg:$0x0];
	s4 =	simm.s32 $0x1;
	s2 =	sshll.u32 s1, $0x7  }
0x6: {  	s7 =	simm.s32 $0x2;
	s12 =	simm.s32 $0x0;
	s1 =	ssub.s32 $0x4000, s2  }
0x7: {  	s8 =	simm.s32 $0x20000;
	s13 =	simm.s32 $0x0;
	s3 =	sand.u32 $0xF80, s1  }
0x8: {  	s9 =	simm.s32 $0x0;
	s5 =	sshrl.u32 s1, $0xC;
	p0 =	sne.s32 s3, $0x0  }
.Ltmp0:
0x9: {  	s1 =	rddreg [dreg:$0x2];
	s4 =	simm.s32 @!p0 $0x0;
	(pc) =	sbr.rel .LBB1_1-.Ltmp0, $4  }
0xa: {  	s11 =	simm.s32 $0x0;
	s3 =	rddreg [dreg:$0x1];
	s5 =	sadd.s32 s4, s5  }
0xb: {  	_ =	strace $0x8000004A;
	s4 =	simm.s32 $0x1;
	s5 =	smul.u32 $0x64, s5  }
0xc: {  	s6 =	sadd.s32 $0x800, s6;
	s10 =	smov.u32 s2;
	[sflag:s4] =	ssyncpa.u1 $0x0  }
0xd: {  	p0 =	por $0x0, $0x0;
	[sflag:s7] =	ssyncpa.u1 $0x0;
	s7 =	sor.u32 $0x1, s5  }
.LBB1_4:
0xe: {  	s16 =	sshll.u32 s13, $0x3;
	s17 =	sand.u32 $0x78, s13  }
0xf: {  	s30 =	sand.u32 $0x1F800, s13;
	s12 =	sshll.u32 s12, $0x11;
	s16 =	sand.u32 $0x3C00, s16  }
0x10: {  	[tilespmem:s15+$0x810 ss:$0x81] =	vst.msk $0xffff, v2;
	s31 =	sand.u32 $0x7, s13;
	s16 =	sor.u32 s17, s16;
	s17 =	sadd.s32 s3, s30  }
0x11: {  	[tilespmem:s15+$0x1020 ss:$0x81] =	vst.msk $0xffff, v0;
	s13 =	sshll.u32 s31, $0x12;
	s12 =	sadd.s32 s12, s17;
	s16 =	sshrl.u32 s16, $0x3  }
0x12: {  	[tilespmem:s15+$0x0 ss:$0x81] =	vst.msk $0xffff, v1;
	s13 =	sor.u32 $0x400, s13;
	s12 =	sadd.s32 s16, s12  }
0x13: {  	[hbm4b:s12+s13] =	stream.strided.scatter [tilespmem:s14], [sflag:$0x2], $0x2000, s8, s13, $0x20;
	[tilespmem:$0x8080] =	vst v63  }
.LBB1_5:
0x14: {  	s14 =	sadd.s32 $0x1, s9  }
0x15: {  	s12 =	sadd.s32 $0x1000, s10;
	s16 =	smov.u32 s10;
	p2 =	sgt.s32 s14, $0x63  }
0x16: {  	s16 =	smov.u32 @p2 s12  }
0x17: {  	s14 =	simm.s32 @p2 $0x0;
	p2 =	sgt.s32 s16, $0x3FFF  }
0x18: {  	s16 =	smov.u32 @p2 s2;
	p2 =	sne.s32 s11, s7  }
.Ltmp1:
0x19: {  	p1 =	slt.u32 s11, $0x2;
	(pc) =	sbr.rel @!p2 .LBB1_6-.Ltmp1, $4  }
0x1a: {  	s15 =	simm.s32 @!p1 $0x2  }
0x1b: {  	s13 =	smov.u32 s10;
	p0 =	por !p0, !p0;
	_ =	swait.ge @!p1 [sflag:s15], $0x2000  }
0x1c: {  	s12 =	smov.u32 s9;
	[sflag:s15] =	ssyncset.done @!p1 $0x0;
	s9 =	smov.u32 s14  }
0x1d: {  	s11 =	sadd.s32 $0x1, s11;
	[sflag:s15] =	ssyncadd.s32 @!p1 $0xFFFFE000;
	s10 =	smov.u32 s16  }
.LBB1_1:
0x1e: {  	p1 =	sge.u32 s11, s5  }
0x1f: {  	s14 =	sand.u32 @!p1 $0x1FFFFFF, s9  }
0x20: {  	s15 =	smulhi.u32 @!p1 $0x2762763, s14;
	_ =	sdelay $0x1  }
0x21: {  	s15 =	smul.u32 @!p1 $0x68, s15  }
0x22: {  	s16 =	sxor.u32 @!p1 $0xFFFFFFFF, s11;
	s17 =	smul.u32 @!p1 $0x680, s10  }
0x23: {  	s31 =	sadd.s32 $0xFFFFFFFF, s11;
	s16 =	sshll.u32 @!p1 s16, $0xD;
	s14 =	ssub.s32 @!p1 s14, s15  }
0x24: {  	s15 =	sand.u32 @!p1 $0x2000, s16;
	s16 =	sadd.s32 @!p1 s6, s17;
	s14 =	sshll.u32 @!p1 s14, $0x4  }
0x25: {  	s17 =	simm.s32 @!p1 $0x3400;
	s14 =	sadd.s32 @!p1 s14, s16;
	s16 =	simm.s32 @!p1 $0x40  }
0x26: {  	[tilespmem:s15], [sflag:$0x1] =	stream.strided.gather @!p1 [hbm4b:s14+s16], $0x2000, s17, s16, $0x38;
	[tilespmem:$0x8080] =	vst v63  }
0x27: {  	p1 =	sge.u32 s31, s5  }
.Ltmp2:
0x28: {  	_ = 	snop;
	(pc) =	sbr.rel @p1 .LBB1_5-.Ltmp2, $1  }
0x29: {  	_ =	sdelay $0x3  }
0x2a: {  	s14 =	simm.s32 $0x1  }
0x2b: {  	_ =	swait.ge [sflag:s4], $0x2000;
	s14 =	simm.s32 @!p0 $0x0  }
0x2c: {  	[sflag:s4] =	ssyncset.done $0x0;
	s15 =	sshll.u32 s14, $0xD  }
0x2d: {  	[sflag:s4] =	ssyncadd.s32 $0xFFFFE000;
	s18 =	sor.u32 $0x20, s15  }
0x2e: {  	s14 =	smul.u32 $0x8100, s14;
	v3 =	vld [tilespmem:s18+$0x10]  }
0x2f: {  	s30 =	sand.u32 $0x1, s11;
	v2 =	vld [tilespmem:s18+$0xFFFFFFF0]  }
0x30: {  	s15 =	smul.u32 $0x8100, s30;
	s14 =	sshrl.u32 s14, $0x2;
	v0 =	vld [tilespmem:s18+$0x0]  }
0x31: {  	v1 =	vld [tilespmem:s18+$0xFFFFFFE0];
	s16 =	sor.u32 $0x4000, s14  }
0x32: {  	s31 =	sshrl.u32 s15, $0x2;
	s15 =	sadd.s32 $0x0, s16  }
0x33: {  	s17 =	simm.s32 $0x4;
	s18 =	sadd.s32 $0x40, s18;
	s14 =	sor.u32 $0x4000, s31;
	[tilespmem:s15+$0x1830 ss:$0x81] =	vst.msk $0xffff, v3  }
.LBB1_3:
0x34: {  	v3 =	vld [tilespmem:s18+$0x10];
	p1 =	sne.s32 s17, $0x1FC;
	[tilespmem:s15+$0x810 ss:$0x81] =	vst.msk $0xffff, v2;
	s19 =	smov.u32 s17;
	s17 =	sadd.s32 $0x4, s17  }
.Ltmp3:
0x35: {  	v2 =	vld [tilespmem:s18+$0xFFFFFFF0];
	[tilespmem:s15+$0x1020 ss:$0x81] =	vst.msk $0xffff, v0;
	(pc) =	sbr.rel @p1 .LBB1_3-.Ltmp3, $4  }
0x36: {  	v0 =	vld [tilespmem:s18+$0x0];
	[tilespmem:s15+$0x0 ss:$0x81] =	vst.msk $0xffff, v1  }
0x37: {  	s15 =	sshra.s32 s19, $0x2;
	v1 =	vld [tilespmem:s18+$0xFFFFFFE0]  }
0x38: {  	s15 =	sadd.s32 s15, s16  }
0x39: {  	s18 =	sadd.s32 $0x40, s18;
	[tilespmem:s15+$0x1830 ss:$0x81] =	vst.msk $0xffff, v3  }
.Ltmp4:
0x3a: {  	_ = 	snop;
	(pc) =	sbr.rel .LBB1_4-.Ltmp4, $1  }
0x3b: {  	_ =	sdelay $0x3  }
.LBB1_6:
0x3c: {  	_ =	sfence.sel $0x180000  }
0x3d: {  	s2 =	simm.s32 $0x1;
	[bflag:$0x0] =	sbarrier.arrive $0xFFFF  }
0x3e: {  	s31 =	simm.s32 $0x2;
	[sflag:s2] =	ssyncpa.u1 $0x1  }
0x3f: {  	[sflag:s31] =	ssyncpa.u1 $0x1  }
0x40: {  	p0 =	sne.s32 s0, $0x0;
	_ =	strace $0x9000004A  }
0x41: {  	s0 =	sadd.s32 @!p0 $0x100000, s1;
	[bflag:$0x2] =	sbarrier.arrive $0xFFFF  }
0x42: {  	[sflag:s0] =	ssyncadd.tile.s32 @!p0 $0x1;
	_ =	shalt  }
.Lfunc_end1:
_tile_overlayer_lowered:
.L_overlay_start_2:
0x43: {  	(tag) =	ssettag $0x2  }
0x44: {  	s0 =	rddreg [dreg:$0x0];
	s2 =	stileid.u32  }
0x45: {  	s1 =	rddreg [dreg:$0x1];
	p0 =	sne.s32 s2, $0x0  }
0x46: {  	s3 =	rddreg [dreg:$0x2];
	[bflag:$0x3] =	sbarrier.arrive $0xFFFF;
	s2 =	simm.s32 @!p0 $0x1C01  }
0x47: {  	[timem:s3], [sflag:s2] =	dma.local @!p0 [hbm:s0], s1  }
0x48: {  	s0 =	simm.s32 @!p0 $0x1  }
0x49: {  	_ =	swait.ge @!p0 [sflag:s0], s1  }
0x4a: {  	s1 =	ssub.s32 @!p0 $0x0, s1;
	[sflag:s0] =	ssyncset.done @!p0 $0x0  }
0x4b: {  	[sflag:s0] =	ssyncadd.s32 @!p0 s1  }
0x4c: {  	[bflag:$0x3] =	sbarrier.arrive $0xFFFF  }
0x4d: {  	_ =	shalt  }

</sc_bundles>
